<compile_context>
chip_gen: v7x
topology: tpu7x:2x2x1
jax: 0.10.2.dev20260603
libtpu: 0.0.44.dev20260713+nightly
codegen_flags: <defaults>
</compile_context>

<pallas_src>
import functools

import jax
import jax.numpy as jnp
from jax import lax
from jax.experimental import pallas as pl
from jax.experimental.pallas import tpu as pltpu
from jax.experimental.pallas import tpu_sc as plsc

BATCH = 16384
EMBED_DIM = 128
NUM_CORES = 2
NUM_SUBCORES = 16
NUM_WORKERS = NUM_CORES * NUM_SUBCORES
B_PER_W = BATCH // NUM_WORKERS
CHUNK = 128
NUM_CHUNKS = B_PER_W // CHUNK
GROUPS_PER_CHUNK = CHUNK // 16


def _body(user_ref, item_ref, eu_ref, ei_ref, out_ref,
          idx_u, idx_i, ubig, ibig, outv, tbuf,
          sems_u, sems_i, sem_iu, sem_ii):
    wid = lax.axis_index("c") * NUM_SUBCORES + lax.axis_index("s")
    base = pl.multiple_of(wid * B_PER_W, B_PER_W)

    cu = pltpu.async_copy(user_ref.at[pl.ds(base, B_PER_W)], idx_u, sem_iu)
    ci = pltpu.async_copy(item_ref.at[pl.ds(base, B_PER_W)], idx_i, sem_ii)
    cu.wait()
    ci.wait()

    iota = lax.iota(jnp.int32, 16)

    def copies(h, p):
        off = pl.multiple_of(h * CHUNK, CHUNK)
        slot = pl.multiple_of(p * CHUNK, CHUNK)
        cu = pltpu.make_async_copy(
            eu_ref.at[idx_u.at[pl.ds(off, CHUNK)]],
            ubig.at[pl.ds(slot, CHUNK)], sems_u.at[p])
        ci = pltpu.make_async_copy(
            ei_ref.at[idx_i.at[pl.ds(off, CHUNK)]],
            ibig.at[pl.ds(slot, CHUNK)], sems_i.at[p])
        return cu, ci

    def fire(h, p):
        cu, ci = copies(h, p)
        cu.start()
        ci.start()

    fire(0, 0)

    def chunk_body(g, _):
        p = g & 1

        @pl.when(g + 1 < NUM_CHUNKS)
        def _fire_next():
            fire(g + 1, (g + 1) & 1)

        cu, ci = copies(g, p)
        cu.wait()
        ci.wait()
        rbase = p * CHUNK

        def group(t, _):
            b0 = t * 16
            for j in range(16):
                row = rbase + b0 + j
                acc = ubig[row, pl.ds(0, 16)] * ibig[row, pl.ds(0, 16)]
                for k in range(1, 8):
                    acc = acc + (ubig[row, pl.ds(16 * k, 16)]
                                 * ibig[row, pl.ds(16 * k, 16)])
                tbuf[pl.ds(17 * j, 16)] = acc
            row17 = iota * 17
            tot = plsc.load_gather(tbuf, [row17])
            for col in range(1, 16):
                tot = tot + plsc.load_gather(tbuf, [row17 + col])
            outv[pl.ds(g * CHUNK + b0, 16)] = tot
            return 0

        lax.fori_loop(0, GROUPS_PER_CHUNK, group, 0)
        return 0

    lax.fori_loop(0, NUM_CHUNKS, chunk_body, 0)

    pltpu.sync_copy(outv, out_ref.at[pl.ds(base, B_PER_W)])


@jax.jit
def _mf(user, item, embed_user, embed_item):
    mesh = plsc.VectorSubcoreMesh(
        core_axis_name="c", subcore_axis_name="s",
        num_cores=NUM_CORES, num_subcores=NUM_SUBCORES)
    return pl.kernel(
        _body,
        out_type=jax.ShapeDtypeStruct((BATCH,), jnp.float32),
        mesh=mesh,
        compiler_params=pltpu.CompilerParams(
            needs_layout_passes=False,
            disable_bounds_checks=True,
            disable_semaphore_checks=True,
        ),
        scratch_types=[
            pltpu.VMEM((B_PER_W,), jnp.int32),
            pltpu.VMEM((B_PER_W,), jnp.int32),
            pltpu.VMEM((2 * CHUNK, EMBED_DIM), jnp.float32),
            pltpu.VMEM((2 * CHUNK, EMBED_DIM), jnp.float32),
            pltpu.VMEM((B_PER_W,), jnp.float32),
            pltpu.VMEM((272,), jnp.float32),
            pltpu.SemaphoreType.DMA((2,)),
            pltpu.SemaphoreType.DMA((2,)),
            pltpu.SemaphoreType.DMA,
            pltpu.SemaphoreType.DMA,
        ],
    )(user, item, embed_user, embed_item)


def kernel(user, item, embed_user, embed_item):
    return _mf(user.astype(jnp.int32), item.astype(jnp.int32),
               embed_user, embed_item)

# --- scband reference (transcript-rebuilt; emitter-appended) ---
"""Pipeline reference for scband-mf-59880434041496 (READ-ONLY COPY).

The authoritative reference and input builder live on the scoring server;
editing this copy changes nothing except your own understanding.
"""

import jax, jax.numpy as jnp
import numpy as np

USER_NUM = 100000
ITEM_NUM = 100000
EMBED_DIM = 128
BATCH = 16384


def setup_inputs(seed: int = 0) -> dict:
    key = jax.random.key(seed)
    k1, k2, k3, k4 = jax.random.split(key, 4)
    user = jax.random.randint(k1, (BATCH,), 0, USER_NUM, dtype=jnp.int64) if jax.config.jax_enable_x64 else jax.random.randint(k1, (BATCH,), 0, USER_NUM, dtype=jnp.int32)
    item = jax.random.randint(k2, (BATCH,), 0, ITEM_NUM, dtype=jnp.int32)
    embed_user = jax.random.normal(k3, (USER_NUM, EMBED_DIM), dtype=jnp.float32) * 0.01
    embed_item = jax.random.normal(k4, (ITEM_NUM, EMBED_DIM), dtype=jnp.float32) * 0.01
    return {"user": user, "item": item, "embed_user": embed_user, "embed_item": embed_item}


def reference(user, item, embed_user, embed_item):
    # Embedding lookups (gather)
    eu = jnp.take(embed_user, user, axis=0)  # [B, D]
    ei = jnp.take(embed_item, item, axis=0)  # [B, D]
    output = jnp.sum(eu * ei, axis=1)        # [B]
    return output.reshape(-1)

if __name__ == "__main__":
    import jax
    _d = setup_inputs()
    print(jax.jit(kernel)(*tuple(_d.values())))

</pallas_src>

<mosaic_0001>
#map = affine_map<(d0, d1) -> (0)>
#map1 = affine_map<(d0, d1) -> (0, 0)>
module attributes {stable_mosaic.version = 14 : i64} {
  func.func @_body(%arg0: i32, %arg1: i32, %arg2: memref<16384xi32, #tpu.memory_space<hbm>>, %arg3: memref<16384xi32, #tpu.memory_space<hbm>>, %arg4: memref<100000x128xf32, #tpu.memory_space<hbm>>, %arg5: memref<100000x128xf32, #tpu.memory_space<hbm>>, %arg6: memref<16384xf32, #tpu.memory_space<hbm>>, %arg7: memref<512xi32, #tpu.memory_space<vmem>>, %arg8: memref<512xi32, #tpu.memory_space<vmem>>, %arg9: memref<256x128xf32, #tpu.memory_space<vmem>>, %arg10: memref<256x128xf32, #tpu.memory_space<vmem>>, %arg11: memref<512xf32, #tpu.memory_space<vmem>>, %arg12: memref<272xf32, #tpu.memory_space<vmem>>, %arg13: memref<2x!tpu.dma_semaphore, #tpu.memory_space<semaphore_mem>>, %arg14: memref<2x!tpu.dma_semaphore, #tpu.memory_space<semaphore_mem>>, %arg15: memref<!tpu.dma_semaphore, #tpu.memory_space<semaphore_mem>>, %arg16: memref<!tpu.dma_semaphore, #tpu.memory_space<semaphore_mem>>) attributes {dimension_semantics = [#tpu.dimension_semantics<core_parallel>, #tpu.dimension_semantics<subcore_parallel>], iteration_bounds = array<i64: 2, 16>, scalar_prefetch = 0 : i64, scratch_operands = 10 : i64, tpu.core_type = #tpu.core_type<sc_vector_subcore>, window_params = [{transform_indices = #map}, {transform_indices = #map}, {transform_indices = #map1}, {transform_indices = #map1}, {transform_indices = #map}]} {
    %mul3A = arith.constant 16 : i32
    %mul3A_0 = arith.muli %arg0, %mul3A : i32
    %add3A = arith.addi %mul3A_0, %arg1 : i32
    %mul3A_1 = arith.constant 512 : i32
    %mul3A_2 = arith.muli %add3A, %mul3A_1 : i32
    %multiple_of3A = tpu.assume_multiple %mul3A_2, 512 : i32
    %dma_start3A = tpu.memref_slice %arg2[%multiple_of3A] : memref<16384xi32, #tpu.memory_space<hbm>> -> memref<512xi32, #tpu.memory_space<hbm>>
    %dma_start3A_3 = tpu.memref_slice %arg2[%multiple_of3A] : memref<16384xi32, #tpu.memory_space<hbm>> -> memref<512xi32, #tpu.memory_space<hbm>>
    tpu.enqueue_dma source(%dma_start3A_3 : memref<512xi32, #tpu.memory_space<hbm>>) target(%arg7 : memref<512xi32, #tpu.memory_space<vmem>>) target_semaphore(%arg15 : memref<!tpu.dma_semaphore, #tpu.memory_space<semaphore_mem>>)
    %dma_start3A_4 = tpu.memref_slice %arg3[%multiple_of3A] : memref<16384xi32, #tpu.memory_space<hbm>> -> memref<512xi32, #tpu.memory_space<hbm>>
    %dma_start3A_5 = tpu.memref_slice %arg3[%multiple_of3A] : memref<16384xi32, #tpu.memory_space<hbm>> -> memref<512xi32, #tpu.memory_space<hbm>>
    tpu.enqueue_dma source(%dma_start3A_5 : memref<512xi32, #tpu.memory_space<hbm>>) target(%arg8 : memref<512xi32, #tpu.memory_space<vmem>>) target_semaphore(%arg16 : memref<!tpu.dma_semaphore, #tpu.memory_space<semaphore_mem>>)
    %dma_wait3A = tpu.memref_slice %arg2[%multiple_of3A] : memref<16384xi32, #tpu.memory_space<hbm>> -> memref<512xi32, #tpu.memory_space<hbm>>
    %dma_wait3A_6 = tpu.memref_slice %arg2[%multiple_of3A] : memref<16384xi32, #tpu.memory_space<hbm>> -> memref<512xi32, #tpu.memory_space<hbm>>
    tpu.wait_dma2 semaphore(%arg15 : memref<!tpu.dma_semaphore, #tpu.memory_space<semaphore_mem>>) src(%dma_wait3A_6 : memref<512xi32, #tpu.memory_space<hbm>>) dst(%arg7 : memref<512xi32, #tpu.memory_space<vmem>>)
    %dma_wait3A_7 = tpu.memref_slice %arg3[%multiple_of3A] : memref<16384xi32, #tpu.memory_space<hbm>> -> memref<512xi32, #tpu.memory_space<hbm>>
    %dma_wait3A_8 = tpu.memref_slice %arg3[%multiple_of3A] : memref<16384xi32, #tpu.memory_space<hbm>> -> memref<512xi32, #tpu.memory_space<hbm>>
    tpu.wait_dma2 semaphore(%arg16 : memref<!tpu.dma_semaphore, #tpu.memory_space<semaphore_mem>>) src(%dma_wait3A_8 : memref<512xi32, #tpu.memory_space<hbm>>) dst(%arg8 : memref<512xi32, #tpu.memory_space<vmem>>)
    %iota3A = tpu.iota {dimensions = array<i32: 0>} : vector<16xi32>
    %multiple_of3A_9 = arith.constant 0 : i32
    %multiple_of3A_10 = tpu.assume_multiple %multiple_of3A_9, 128 : i32
    %multiple_of3A_11 = arith.constant 0 : i32
    %multiple_of3A_12 = tpu.assume_multiple %multiple_of3A_11, 128 : i32
    %dma_start3A_13 = arith.constant 0 : i32
    %dma_start3A_14 = arith.constant 0 : i32
    %dma_start3A_15 = tpu.memref_slice %arg9[%multiple_of3A_12, %dma_start3A_14] : memref<256x128xf32, #tpu.memory_space<vmem>> -> memref<128x128xf32, #tpu.memory_space<vmem>>
    %dma_start3A_16 = tpu.memref_slice %arg7[%multiple_of3A_10] : memref<512xi32, #tpu.memory_space<vmem>> -> memref<128xi32, #tpu.memory_space<vmem>>
    %dma_start3A_17 = arith.constant 0 : i32
    %dma_start3A_18 = arith.constant 0 : i32
    %dma_start3A_19 = tpu.memref_slice %arg4[%dma_start3A_17, %dma_start3A_18] : memref<100000x128xf32, #tpu.memory_space<hbm>> -> memref<100000x128xf32, #tpu.memory_space<hbm>>
    %dma_start3A_20 = tpu.memref_slice %arg13[%dma_start3A_13] : memref<2x!tpu.dma_semaphore, #tpu.memory_space<semaphore_mem>> -> memref<1x!tpu.dma_semaphore, #tpu.memory_space<semaphore_mem>>
    %dma_start3A_21 = tpu.memref_squeeze %dma_start3A_20 : memref<1x!tpu.dma_semaphore, #tpu.memory_space<semaphore_mem>> -> memref<!tpu.dma_semaphore, #tpu.memory_space<semaphore_mem>>
    tpu.enqueue_indirect_dma source(%dma_start3A_19 : memref<100000x128xf32, #tpu.memory_space<hbm>>) target(%dma_start3A_15 : memref<128x128xf32, #tpu.memory_space<vmem>>) offsets(%dma_start3A_16 : memref<128xi32, #tpu.memory_space<vmem>>) semaphore(%dma_start3A_21 : memref<!tpu.dma_semaphore, #tpu.memory_space<semaphore_mem>>)
    %dma_start3A_22 = arith.constant 0 : i32
    %dma_start3A_23 = arith.constant 0 : i32
    %dma_start3A_24 = tpu.memref_slice %arg10[%multiple_of3A_12, %dma_start3A_23] : memref<256x128xf32, #tpu.memory_space<vmem>> -> memref<128x128xf32, #tpu.memory_space<vmem>>
    %dma_start3A_25 = tpu.memref_slice %arg8[%multiple_of3A_10] : memref<512xi32, #tpu.memory_space<vmem>> -> memref<128xi32, #tpu.memory_space<vmem>>
    %dma_start3A_26 = arith.constant 0 : i32
    %dma_start3A_27 = arith.constant 0 : i32
    %dma_start3A_28 = tpu.memref_slice %arg5[%dma_start3A_26, %dma_start3A_27] : memref<100000x128xf32, #tpu.memory_space<hbm>> -> memref<100000x128xf32, #tpu.memory_space<hbm>>
    %dma_start3A_29 = tpu.memref_slice %arg14[%dma_start3A_22] : memref<2x!tpu.dma_semaphore, #tpu.memory_space<semaphore_mem>> -> memref<1x!tpu.dma_semaphore, #tpu.memory_space<semaphore_mem>>
    %dma_start3A_30 = tpu.memref_squeeze %dma_start3A_29 : memref<1x!tpu.dma_semaphore, #tpu.memory_space<semaphore_mem>> -> memref<!tpu.dma_semaphore, #tpu.memory_space<semaphore_mem>>
    tpu.enqueue_indirect_dma source(%dma_start3A_28 : memref<100000x128xf32, #tpu.memory_space<hbm>>) target(%dma_start3A_24 : memref<128x128xf32, #tpu.memory_space<vmem>>) offsets(%dma_start3A_25 : memref<128xi32, #tpu.memory_space<vmem>>) semaphore(%dma_start3A_30 : memref<!tpu.dma_semaphore, #tpu.memory_space<semaphore_mem>>)
    %scan3A = arith.constant 0 : i32
    %scan3A_31 = arith.constant 0 : i32
    %scan3A_32 = arith.constant 4 : i32
    %scan3A_33 = arith.addi %scan3A_31, %scan3A_32 : i32
    %scan3A_34 = arith.constant 1 : i32
    %scan3A_35 = scf.for %scan3A_37 = %scan3A_31 to %scan3A_33 step %scan3A_34 iter_args(%scan3A_38 = %scan3A) -> (i32)  : i32 {
      %and3A = arith.constant 1 : i32
      %and3A_39 = arith.andi %scan3A_37, %and3A : i32
      %add3A_40 = arith.constant 1 : i32
      %add3A_41 = arith.addi %scan3A_37, %add3A_40 : i32
      %lt3A = arith.constant 4 : i32
      %lt3A_42 = arith.cmpi slt, %add3A_41, %lt3A : i32
      %convert_element_type3A = arith.extui %lt3A_42 : i1 to i32
      %cond3A = arith.constant 0 : i32
      %cond3A_43 = arith.cmpi ne, %convert_element_type3A, %cond3A : i32
      scf.if %cond3A_43 {
        %add3A_76 = arith.constant 1 : i32
        %add3A_77 = arith.addi %scan3A_37, %add3A_76 : i32
        %add3A_78 = arith.constant 1 : i32
        %add3A_79 = arith.addi %scan3A_37, %add3A_78 : i32
        %and3A_80 = arith.constant 1 : i32
        %and3A_81 = arith.andi %add3A_79, %and3A_80 : i32
        %mul3A_82 = arith.constant 128 : i32
        %mul3A_83 = arith.muli %add3A_77, %mul3A_82 : i32
        %multiple_of3A_84 = tpu.assume_multiple %mul3A_83, 128 : i32
        %mul3A_85 = arith.constant 128 : i32
        %mul3A_86 = arith.muli %and3A_81, %mul3A_85 : i32
        %multiple_of3A_87 = tpu.assume_multiple %mul3A_86, 128 : i32
        %dma_start3A_88 = arith.constant 0 : i32
        %dma_start3A_89 = tpu.memref_slice %arg9[%multiple_of3A_87, %dma_start3A_88] : memref<256x128xf32, #tpu.memory_space<vmem>> -> memref<128x128xf32, #tpu.memory_space<vmem>>
        %dma_start3A_90 = tpu.memref_slice %arg7[%multiple_of3A_84] : memref<512xi32, #tpu.memory_space<vmem>> -> memref<128xi32, #tpu.memory_space<vmem>>
        %dma_start3A_91 = arith.constant 0 : i32
        %dma_start3A_92 = arith.constant 0 : i32
        %dma_start3A_93 = tpu.memref_slice %arg4[%dma_start3A_91, %dma_start3A_92] : memref<100000x128xf32, #tpu.memory_space<hbm>> -> memref<100000x128xf32, #tpu.memory_space<hbm>>
        %dma_start3A_94 = tpu.memref_slice %arg13[%and3A_81] : memref<2x!tpu.dma_semaphore, #tpu.memory_space<semaphore_mem>> -> memref<1x!tpu.dma_semaphore, #tpu.memory_space<semaphore_mem>>
        %dma_start3A_95 = tpu.memref_squeeze %dma_start3A_94 : memref<1x!tpu.dma_semaphore, #tpu.memory_space<semaphore_mem>> -> memref<!tpu.dma_semaphore, #tpu.memory_space<semaphore_mem>>
        tpu.enqueue_indirect_dma source(%dma_start3A_93 : memref<100000x128xf32, #tpu.memory_space<hbm>>) target(%dma_start3A_89 : memref<128x128xf32, #tpu.memory_space<vmem>>) offsets(%dma_start3A_90 : memref<128xi32, #tpu.memory_space<vmem>>) semaphore(%dma_start3A_95 : memref<!tpu.dma_semaphore, #tpu.memory_space<semaphore_mem>>)
        %dma_start3A_96 = arith.constant 0 : i32
        %dma_start3A_97 = tpu.memref_slice %arg10[%multiple_of3A_87, %dma_start3A_96] : memref<256x128xf32, #tpu.memory_space<vmem>> -> memref<128x128xf32, #tpu.memory_space<vmem>>
        %dma_start3A_98 = tpu.memref_slice %arg8[%multiple_of3A_84] : memref<512xi32, #tpu.memory_space<vmem>> -> memref<128xi32, #tpu.memory_space<vmem>>
        %dma_start3A_99 = arith.constant 0 : i32
        %dma_start3A_100 = arith.constant 0 : i32
        %dma_start3A_101 = tpu.memref_slice %arg5[%dma_start3A_99, %dma_start3A_100] : memref<100000x128xf32, #tpu.memory_space<hbm>> -> memref<100000x128xf32, #tpu.memory_space<hbm>>
        %dma_start3A_102 = tpu.memref_slice %arg14[%and3A_81] : memref<2x!tpu.dma_semaphore, #tpu.memory_space<semaphore_mem>> -> memref<1x!tpu.dma_semaphore, #tpu.memory_space<semaphore_mem>>
        %dma_start3A_103 = tpu.memref_squeeze %dma_start3A_102 : memref<1x!tpu.dma_semaphore, #tpu.memory_space<semaphore_mem>> -> memref<!tpu.dma_semaphore, #tpu.memory_space<semaphore_mem>>
        tpu.enqueue_indirect_dma source(%dma_start3A_101 : memref<100000x128xf32, #tpu.memory_space<hbm>>) target(%dma_start3A_97 : memref<128x128xf32, #tpu.memory_space<vmem>>) offsets(%dma_start3A_98 : memref<128xi32, #tpu.memory_space<vmem>>) semaphore(%dma_start3A_103 : memref<!tpu.dma_semaphore, #tpu.memory_space<semaphore_mem>>)
      } else {
      }
      %mul3A_44 = arith.constant 128 : i32
      %mul3A_45 = arith.muli %scan3A_37, %mul3A_44 : i32
      %multiple_of3A_46 = tpu.assume_multiple %mul3A_45, 128 : i32
      %mul3A_47 = arith.constant 128 : i32
      %mul3A_48 = arith.muli %and3A_39, %mul3A_47 : i32
      %multiple_of3A_49 = tpu.assume_multiple %mul3A_48, 128 : i32
      %dma_wait3A_50 = arith.constant 0 : i32
      %dma_wait3A_51 = tpu.memref_slice %arg9[%multiple_of3A_49, %dma_wait3A_50] : memref<256x128xf32, #tpu.memory_space<vmem>> -> memref<128x128xf32, #tpu.memory_space<vmem>>
      %dma_wait3A_52 = tpu.memref_slice %arg7[%multiple_of3A_46] : memref<512xi32, #tpu.memory_space<vmem>> -> memref<128xi32, #tpu.memory_space<vmem>>
      %dma_wait3A_53 = arith.constant 0 : i32
      %dma_wait3A_54 = arith.constant 0 : i32
      %dma_wait3A_55 = tpu.memref_slice %arg4[%dma_wait3A_53, %dma_wait3A_54] : memref<100000x128xf32, #tpu.memory_space<hbm>> -> memref<100000x128xf32, #tpu.memory_space<hbm>>
      %dma_wait3A_56 = tpu.memref_slice %arg13[%and3A_39] : memref<2x!tpu.dma_semaphore, #tpu.memory_space<semaphore_mem>> -> memref<1x!tpu.dma_semaphore, #tpu.memory_space<semaphore_mem>>
      %dma_wait3A_57 = tpu.memref_squeeze %dma_wait3A_56 : memref<1x!tpu.dma_semaphore, #tpu.memory_space<semaphore_mem>> -> memref<!tpu.dma_semaphore, #tpu.memory_space<semaphore_mem>>
      tpu.wait_indirect_dma semaphore(%dma_wait3A_57 : memref<!tpu.dma_semaphore, #tpu.memory_space<semaphore_mem>>) src(%dma_wait3A_55 : memref<100000x128xf32, #tpu.memory_space<hbm>>) dst(%dma_wait3A_51 : memref<128x128xf32, #tpu.memory_space<vmem>>)
      %dma_wait3A_58 = arith.constant 0 : i32
      %dma_wait3A_59 = tpu.memref_slice %arg10[%multiple_of3A_49, %dma_wait3A_58] : memref<256x128xf32, #tpu.memory_space<vmem>> -> memref<128x128xf32, #tpu.memory_space<vmem>>
      %dma_wait3A_60 = tpu.memref_slice %arg8[%multiple_of3A_46] : memref<512xi32, #tpu.memory_space<vmem>> -> memref<128xi32, #tpu.memory_space<vmem>>
      %dma_wait3A_61 = arith.constant 0 : i32
      %dma_wait3A_62 = arith.constant 0 : i32
      %dma_wait3A_63 = tpu.memref_slice %arg5[%dma_wait3A_61, %dma_wait3A_62] : memref<100000x128xf32, #tpu.memory_space<hbm>> -> memref<100000x128xf32, #tpu.memory_space<hbm>>
      %dma_wait3A_64 = tpu.memref_slice %arg14[%and3A_39] : memref<2x!tpu.dma_semaphore, #tpu.memory_space<semaphore_mem>> -> memref<1x!tpu.dma_semaphore, #tpu.memory_space<semaphore_mem>>
      %dma_wait3A_65 = tpu.memref_squeeze %dma_wait3A_64 : memref<1x!tpu.dma_semaphore, #tpu.memory_space<semaphore_mem>> -> memref<!tpu.dma_semaphore, #tpu.memory_space<semaphore_mem>>
      tpu.wait_indirect_dma semaphore(%dma_wait3A_65 : memref<!tpu.dma_semaphore, #tpu.memory_space<semaphore_mem>>) src(%dma_wait3A_63 : memref<100000x128xf32, #tpu.memory_space<hbm>>) dst(%dma_wait3A_59 : memref<128x128xf32, #tpu.memory_space<vmem>>)
      %mul3A_66 = arith.constant 128 : i32
      %mul3A_67 = arith.muli %and3A_39, %mul3A_66 : i32
      %scan3A_68 = arith.constant 0 : i32
      %scan3A_69 = arith.constant 0 : i32
      %scan3A_70 = arith.constant 8 : i32
      %scan3A_71 = arith.addi %scan3A_69, %scan3A_70 : i32
      %scan3A_72 = arith.constant 1 : i32
      %scan3A_73 = scf.for %scan3A_76 = %scan3A_69 to %scan3A_71 step %scan3A_72 iter_args(%scan3A_77 = %scan3A_68) -> (i32)  : i32 {
        %mul3A_78 = arith.constant 16 : i32
        %mul3A_79 = arith.muli %scan3A_76, %mul3A_78 : i32
        %add3A_80 = arith.addi %mul3A_67, %mul3A_79 : i32
        %add3A_81 = arith.constant 0 : i32
        %add3A_82 = arith.addi %add3A_80, %add3A_81 : i32
        %get3A = arith.index_cast %add3A_82 : i32 to index
        %get3A_83 = arith.constant 0 : index
        %get3A_84 = tpu.vector_load %arg9[%get3A, %get3A_83] {strides = array<i32>} : memref<256x128xf32, #tpu.memory_space<vmem>>, vector<16xf32>,
        %get3A_85 = arith.index_cast %add3A_82 : i32 to index
        %get3A_86 = arith.constant 0 : index
        %get3A_87 = tpu.vector_load %arg10[%get3A_85, %get3A_86] {strides = array<i32>} : memref<256x128xf32, #tpu.memory_space<vmem>>, vector<16xf32>,
        %mul3A_88 = arith.mulf %get3A_84, %get3A_87 : vector<16xf32>
        %get3A_89 = arith.index_cast %add3A_82 : i32 to index
        %get3A_90 = arith.constant 16 : index
        %get3A_91 = tpu.vector_load %arg9[%get3A_89, %get3A_90] {strides = array<i32>} : memref<256x128xf32, #tpu.memory_space<vmem>>, vector<16xf32>,
        %get3A_92 = arith.index_cast %add3A_82 : i32 to index
        %get3A_93 = arith.constant 16 : index
        %get3A_94 = tpu.vector_load %arg10[%get3A_92, %get3A_93] {strides = array<i32>} : memref<256x128xf32, #tpu.memory_space<vmem>>, vector<16xf32>,
        %mul3A_95 = arith.mulf %get3A_91, %get3A_94 : vector<16xf32>
        %add3A_96 = arith.addf %mul3A_88, %mul3A_95 : vector<16xf32>
        %get3A_97 = arith.index_cast %add3A_82 : i32 to index
        %get3A_98 = arith.constant 32 : index
        %get3A_99 = tpu.vector_load %arg9[%get3A_97, %get3A_98] {strides = array<i32>} : memref<256x128xf32, #tpu.memory_space<vmem>>, vector<16xf32>,
        %get3A_100 = arith.index_cast %add3A_82 : i32 to index
        %get3A_101 = arith.constant 32 : index
        %get3A_102 = tpu.vector_load %arg10[%get3A_100, %get3A_101] {strides = array<i32>} : memref<256x128xf32, #tpu.memory_space<vmem>>, vector<16xf32>,
        %mul3A_103 = arith.mulf %get3A_99, %get3A_102 : vector<16xf32>
        %add3A_104 = arith.addf %add3A_96, %mul3A_103 : vector<16xf32>
        %get3A_105 = arith.index_cast %add3A_82 : i32 to index
        %get3A_106 = arith.constant 48 : index
        %get3A_107 = tpu.vector_load %arg9[%get3A_105, %get3A_106] {strides = array<i32>} : memref<256x128xf32, #tpu.memory_space<vmem>>, vector<16xf32>,
        %get3A_108 = arith.index_cast %add3A_82 : i32 to index
        %get3A_109 = arith.constant 48 : index
        %get3A_110 = tpu.vector_load %arg10[%get3A_108, %get3A_109] {strides = array<i32>} : memref<256x128xf32, #tpu.memory_space<vmem>>, vector<16xf32>,
        %mul3A_111 = arith.mulf %get3A_107, %get3A_110 : vector<16xf32>
        %add3A_112 = arith.addf %add3A_104, %mul3A_111 : vector<16xf32>
        %get3A_113 = arith.index_cast %add3A_82 : i32 to index
        %get3A_114 = arith.constant 64 : index
        %get3A_115 = tpu.vector_load %arg9[%get3A_113, %get3A_114] {strides = array<i32>} : memref<256x128xf32, #tpu.memory_space<vmem>>, vector<16xf32>,
        %get3A_116 = arith.index_cast %add3A_82 : i32 to index
        %get3A_117 = arith.constant 64 : index
        %get3A_118 = tpu.vector_load %arg10[%get3A_116, %get3A_117] {strides = array<i32>} : memref<256x128xf32, #tpu.memory_space<vmem>>, vector<16xf32>,
        %mul3A_119 = arith.mulf %get3A_115, %get3A_118 : vector<16xf32>
        %add3A_120 = arith.addf %add3A_112, %mul3A_119 : vector<16xf32>
        %get3A_121 = arith.index_cast %add3A_82 : i32 to index
        %get3A_122 = arith.constant 80 : index
        %get3A_123 = tpu.vector_load %arg9[%get3A_121, %get3A_122] {strides = array<i32>} : memref<256x128xf32, #tpu.memory_space<vmem>>, vector<16xf32>,
        %get3A_124 = arith.index_cast %add3A_82 : i32 to index
        %get3A_125 = arith.constant 80 : index
        %get3A_126 = tpu.vector_load %arg10[%get3A_124, %get3A_125] {strides = array<i32>} : memref<256x128xf32, #tpu.memory_space<vmem>>, vector<16xf32>,
        %mul3A_127 = arith.mulf %get3A_123, %get3A_126 : vector<16xf32>
        %add3A_128 = arith.addf %add3A_120, %mul3A_127 : vector<16xf32>
        %get3A_129 = arith.index_cast %add3A_82 : i32 to index
        %get3A_130 = arith.constant 96 : index
        %get3A_131 = tpu.vector_load %arg9[%get3A_129, %get3A_130] {strides = array<i32>} : memref<256x128xf32, #tpu.memory_space<vmem>>, vector<16xf32>,
        %get3A_132 = arith.index_cast %add3A_82 : i32 to index
        %get3A_133 = arith.constant 96 : index
        %get3A_134 = tpu.vector_load %arg10[%get3A_132, %get3A_133] {strides = array<i32>} : memref<256x128xf32, #tpu.memory_space<vmem>>, vector<16xf32>,
        %mul3A_135 = arith.mulf %get3A_131, %get3A_134 : vector<16xf32>
        %add3A_136 = arith.addf %add3A_128, %mul3A_135 : vector<16xf32>
        %get3A_137 = arith.index_cast %add3A_82 : i32 to index
        %get3A_138 = arith.constant 112 : index
        %get3A_139 = tpu.vector_load %arg9[%get3A_137, %get3A_138] {strides = array<i32>} : memref<256x128xf32, #tpu.memory_space<vmem>>, vector<16xf32>,
        %get3A_140 = arith.index_cast %add3A_82 : i32 to index
        %get3A_141 = arith.constant 112 : index
        %get3A_142 = tpu.vector_load %arg10[%get3A_140, %get3A_141] {strides = array<i32>} : memref<256x128xf32, #tpu.memory_space<vmem>>, vector<16xf32>,
        %mul3A_143 = arith.mulf %get3A_139, %get3A_142 : vector<16xf32>
        %add3A_144 = arith.addf %add3A_136, %mul3A_143 : vector<16xf32>
        %swap3A = arith.constant 0 : index
        %swap3A_145 = tpu.vector_load %arg12[%swap3A] {strides = array<i32>} : memref<272xf32, #tpu.memory_space<vmem>>, vector<16xf32>,
        tpu.vector_store %arg12[%swap3A], %add3A_144 {strides = array<i32>} : memref<272xf32, #tpu.memory_space<vmem>>, vector<16xf32>,
        %add3A_146 = arith.addi %mul3A_67, %mul3A_79 : i32
        %add3A_147 = arith.constant 1 : i32
        %add3A_148 = arith.addi %add3A_146, %add3A_147 : i32
        %get3A_149 = arith.index_cast %add3A_148 : i32 to index
        %get3A_150 = arith.constant 0 : index
        %get3A_151 = tpu.vector_load %arg9[%get3A_149, %get3A_150] {strides = array<i32>} : memref<256x128xf32, #tpu.memory_space<vmem>>, vector<16xf32>,
        %get3A_152 = arith.index_cast %add3A_148 : i32 to index
        %get3A_153 = arith.constant 0 : index
        %get3A_154 = tpu.vector_load %arg10[%get3A_152, %get3A_153] {strides = array<i32>} : memref<256x128xf32, #tpu.memory_space<vmem>>, vector<16xf32>,
        %mul3A_155 = arith.mulf %get3A_151, %get3A_154 : vector<16xf32>
        %get3A_156 = arith.index_cast %add3A_148 : i32 to index
        %get3A_157 = arith.constant 16 : index
        %get3A_158 = tpu.vector_load %arg9[%get3A_156, %get3A_157] {strides = array<i32>} : memref<256x128xf32, #tpu.memory_space<vmem>>, vector<16xf32>,
        %get3A_159 = arith.index_cast %add3A_148 : i32 to index
        %get3A_160 = arith.constant 16 : index
        %get3A_161 = tpu.vector_load %arg10[%get3A_159, %get3A_160] {strides = array<i32>} : memref<256x128xf32, #tpu.memory_space<vmem>>, vector<16xf32>,
        %mul3A_162 = arith.mulf %get3A_158, %get3A_161 : vector<16xf32>
        %add3A_163 = arith.addf %mul3A_155, %mul3A_162 : vector<16xf32>
        %get3A_164 = arith.index_cast %add3A_148 : i32 to index
        %get3A_165 = arith.constant 32 : index
        %get3A_166 = tpu.vector_load %arg9[%get3A_164, %get3A_165] {strides = array<i32>} : memref<256x128xf32, #tpu.memory_space<vmem>>, vector<16xf32>,
        %get3A_167 = arith.index_cast %add3A_148 : i32 to index
        %get3A_168 = arith.constant 32 : index
        %get3A_169 = tpu.vector_load %arg10[%get3A_167, %get3A_168] {strides = array<i32>} : memref<256x128xf32, #tpu.memory_space<vmem>>, vector<16xf32>,
        %mul3A_170 = arith.mulf %get3A_166, %get3A_169 : vector<16xf32>
        %add3A_171 = arith.addf %add3A_163, %mul3A_170 : vector<16xf32>
        %get3A_172 = arith.index_cast %add3A_148 : i32 to index
        %get3A_173 = arith.constant 48 : index
        %get3A_174 = tpu.vector_load %arg9[%get3A_172, %get3A_173] {strides = array<i32>} : memref<256x128xf32, #tpu.memory_space<vmem>>, vector<16xf32>,
        %get3A_175 = arith.index_cast %add3A_148 : i32 to index
        %get3A_176 = arith.constant 48 : index
        %get3A_177 = tpu.vector_load %arg10[%get3A_175, %get3A_176] {strides = array<i32>} : memref<256x128xf32, #tpu.memory_space<vmem>>, vector<16xf32>,
        %mul3A_178 = arith.mulf %get3A_174, %get3A_177 : vector<16xf32>
        %add3A_179 = arith.addf %add3A_171, %mul3A_178 : vector<16xf32>
        %get3A_180 = arith.index_cast %add3A_148 : i32 to index
        %get3A_181 = arith.constant 64 : index
        %get3A_182 = tpu.vector_load %arg9[%get3A_180, %get3A_181] {strides = array<i32>} : memref<256x128xf32, #tpu.memory_space<vmem>>, vector<16xf32>,
        %get3A_183 = arith.index_cast %add3A_148 : i32 to index
        %get3A_184 = arith.constant 64 : index
        %get3A_185 = tpu.vector_load %arg10[%get3A_183, %get3A_184] {strides = array<i32>} : memref<256x128xf32, #tpu.memory_space<vmem>>, vector<16xf32>,
        %mul3A_186 = arith.mulf %get3A_182, %get3A_185 : vector<16xf32>
        %add3A_187 = arith.addf %add3A_179, %mul3A_186 : vector<16xf32>
        %get3A_188 = arith.index_cast %add3A_148 : i32 to index
        %get3A_189 = arith.constant 80 : index
        %get3A_190 = tpu.vector_load %arg9[%get3A_188, %get3A_189] {strides = array<i32>} : memref<256x128xf32, #tpu.memory_space<vmem>>, vector<16xf32>,
        %get3A_191 = arith.index_cast %add3A_148 : i32 to index
        %get3A_192 = arith.constant 80 : index
        %get3A_193 = tpu.vector_load %arg10[%get3A_191, %get3A_192] {strides = array<i32>} : memref<256x128xf32, #tpu.memory_space<vmem>>, vector<16xf32>,
        %mul3A_194 = arith.mulf %get3A_190, %get3A_193 : vector<16xf32>
        %add3A_195 = arith.addf %add3A_187, %mul3A_194 : vector<16xf32>
        %get3A_196 = arith.index_cast %add3A_148 : i32 to index
        %get3A_197 = arith.constant 96 : index
        %get3A_198 = tpu.vector_load %arg9[%get3A_196, %get3A_197] {strides = array<i32>} : memref<256x128xf32, #tpu.memory_space<vmem>>, vector<16xf32>,
        %get3A_199 = arith.index_cast %add3A_148 : i32 to index
        %get3A_200 = arith.constant 96 : index
        %get3A_201 = tpu.vector_load %arg10[%get3A_199, %get3A_200] {strides = array<i32>} : memref<256x128xf32, #tpu.memory_space<vmem>>, vector<16xf32>,
        %mul3A_202 = arith.mulf %get3A_198, %get3A_201 : vector<16xf32>
        %add3A_203 = arith.addf %add3A_195, %mul3A_202 : vector<16xf32>
        %get3A_204 = arith.index_cast %add3A_148 : i32 to index
        %get3A_205 = arith.constant 112 : index
        %get3A_206 = tpu.vector_load %arg9[%get3A_204, %get3A_205] {strides = array<i32>} : memref<256x128xf32, #tpu.memory_space<vmem>>, vector<16xf32>,
        %get3A_207 = arith.index_cast %add3A_148 : i32 to index
        %get3A_208 = arith.constant 112 : index
        %get3A_209 = tpu.vector_load %arg10[%get3A_207, %get3A_208] {strides = array<i32>} : memref<256x128xf32, #tpu.memory_space<vmem>>, vector<16xf32>,
        %mul3A_210 = arith.mulf %get3A_206, %get3A_209 : vector<16xf32>
        %add3A_211 = arith.addf %add3A_203, %mul3A_210 : vector<16xf32>
        %swap3A_212 = arith.constant 17 : index
        %swap3A_213 = tpu.vector_load %arg12[%swap3A_212] {strides = array<i32>} : memref<272xf32, #tpu.memory_space<vmem>>, vector<16xf32>,
        tpu.vector_store %arg12[%swap3A_212], %add3A_211 {strides = array<i32>} : memref<272xf32, #tpu.memory_space<vmem>>, vector<16xf32>,
        %add3A_214 = arith.addi %mul3A_67, %mul3A_79 : i32
        %add3A_215 = arith.constant 2 : i32
        %add3A_216 = arith.addi %add3A_214, %add3A_215 : i32
        %get3A_217 = arith.index_cast %add3A_216 : i32 to index
        %get3A_218 = arith.constant 0 : index
        %get3A_219 = tpu.vector_load %arg9[%get3A_217, %get3A_218] {strides = array<i32>} : memref<256x128xf32, #tpu.memory_space<vmem>>, vector<16xf32>,
        %get3A_220 = arith.index_cast %add3A_216 : i32 to index
        %get3A_221 = arith.constant 0 : index
        %get3A_222 = tpu.vector_load %arg10[%get3A_220, %get3A_221] {strides = array<i32>} : memref<256x128xf32, #tpu.memory_space<vmem>>, vector<16xf32>,
        %mul3A_223 = arith.mulf %get3A_219, %get3A_222 : vector<16xf32>
        %get3A_224 = arith.index_cast %add3A_216 : i32 to index
        %get3A_225 = arith.constant 16 : index
        %get3A_226 = tpu.vector_load %arg9[%get3A_224, %get3A_225] {strides = array<i32>} : memref<256x128xf32, #tpu.memory_space<vmem>>, vector<16xf32>,
        %get3A_227 = arith.index_cast %add3A_216 : i32 to index
        %get3A_228 = arith.constant 16 : index
        %get3A_229 = tpu.vector_load %arg10[%get3A_227, %get3A_228] {strides = array<i32>} : memref<256x128xf32, #tpu.memory_space<vmem>>, vector<16xf32>,
        %mul3A_230 = arith.mulf %get3A_226, %get3A_229 : vector<16xf32>
        %add3A_231 = arith.addf %mul3A_223, %mul3A_230 : vector<16xf32>
        %get3A_232 = arith.index_cast %add3A_216 : i32 to index
        %get3A_233 = arith.constant 32 : index
        %get3A_234 = tpu.vector_load %arg9[%get3A_232, %get3A_233] {strides = array<i32>} : memref<256x128xf32, #tpu.memory_space<vmem>>, vector<16xf32>,
        %get3A_235 = arith.index_cast %add3A_216 : i32 to index
        %get3A_236 = arith.constant 32 : index
        %get3A_237 = tpu.vector_load %arg10[%get3A_235, %get3A_236] {strides = array<i32>} : memref<256x128xf32, #tpu.memory_space<vmem>>, vector<16xf32>,
        %mul3A_238 = arith.mulf %get3A_234, %get3A_237 : vector<16xf32>
        %add3A_239 = arith.addf %add3A_231, %mul3A_238 : vector<16xf32>
        %get3A_240 = arith.index_cast %add3A_216 : i32 to index
        %get3A_241 = arith.constant 48 : index
        %get3A_242 = tpu.vector_load %arg9[%get3A_240, %get3A_241] {strides = array<i32>} : memref<256x128xf32, #tpu.memory_space<vmem>>, vector<16xf32>,
        %get3A_243 = arith.index_cast %add3A_216 : i32 to index
        %get3A_244 = arith.constant 48 : index
        %get3A_245 = tpu.vector_load %arg10[%get3A_243, %get3A_244] {strides = array<i32>} : memref<256x128xf32, #tpu.memory_space<vmem>>, vector<16xf32>,
        %mul3A_246 = arith.mulf %get3A_242, %get3A_245 : vector<16xf32>
        %add3A_247 = arith.addf %add3A_239, %mul3A_246 : vector<16xf32>
        %get3A_248 = arith.index_cast %add3A_216 : i32 to index
        %get3A_249 = arith.constant 64 : index
        %get3A_250 = tpu.vector_load %arg9[%get3A_248, %get3A_249] {strides = array<i32>} : memref<256x128xf32, #tpu.memory_space<vmem>>, vector<16xf32>,
        %get3A_251 = arith.index_cast %add3A_216 : i32 to index
        %get3A_252 = arith.constant 64 : index
        %get3A_253 = tpu.vector_load %arg10[%get3A_251, %get3A_252] {strides = array<i32>} : memref<256x128xf32, #tpu.memory_space<vmem>>, vector<16xf32>,
        %mul3A_254 = arith.mulf %get3A_250, %get3A_253 : vector<16xf32>
        %add3A_255 = arith.addf %add3A_247, %mul3A_254 : vector<16xf32>
        %get3A_256 = arith.index_cast %add3A_216 : i32 to index
        %get3A_257 = arith.constant 80 : index
        %get3A_258 = tpu.vector_load %arg9[%get3A_256, %get3A_257] {strides = array<i32>} : memref<256x128xf32, #tpu.memory_space<vmem>>, vector<16xf32>,
        %get3A_259 = arith.index_cast %add3A_216 : i32 to index
        %get3A_260 = arith.constant 80 : index
        %get3A_261 = tpu.vector_load %arg10[%get3A_259, %get3A_260] {strides = array<i32>} : memref<256x128xf32, #tpu.memory_space<vmem>>, vector<16xf32>,
        %mul3A_262 = arith.mulf %get3A_258, %get3A_261 : vector<16xf32>
        %add3A_263 = arith.addf %add3A_255, %mul3A_262 : vector<16xf32>
        %get3A_264 = arith.index_cast %add3A_216 : i32 to index
        %get3A_265 = arith.constant 96 : index
        %get3A_266 = tpu.vector_load %arg9[%get3A_264, %get3A_265] {strides = array<i32>} : memref<256x128xf32, #tpu.memory_space<vmem>>, vector<16xf32>,
        %get3A_267 = arith.index_cast %add3A_216 : i32 to index
        %get3A_268 = arith.constant 96 : index
        %get3A_269 = tpu.vector_load %arg10[%get3A_267, %get3A_268] {strides = array<i32>} : memref<256x128xf32, #tpu.memory_space<vmem>>, vector<16xf32>,
        %mul3A_270 = arith.mulf %get3A_266, %get3A_269 : vector<16xf32>
        %add3A_271 = arith.addf %add3A_263, %mul3A_270 : vector<16xf32>
        %get3A_272 = arith.index_cast %add3A_216 : i32 to index
        %get3A_273 = arith.constant 112 : index
        %get3A_274 = tpu.vector_load %arg9[%get3A_272, %get3A_273] {strides = array<i32>} : memref<256x128xf32, #tpu.memory_space<vmem>>, vector<16xf32>,
        %get3A_275 = arith.index_cast %add3A_216 : i32 to index
        %get3A_276 = arith.constant 112 : index
        %get3A_277 = tpu.vector_load %arg10[%get3A_275, %get3A_276] {strides = array<i32>} : memref<256x128xf32, #tpu.memory_space<vmem>>, vector<16xf32>,
        %mul3A_278 = arith.mulf %get3A_274, %get3A_277 : vector<16xf32>
        %add3A_279 = arith.addf %add3A_271, %mul3A_278 : vector<16xf32>
        %swap3A_280 = arith.constant 34 : index
        %swap3A_281 = tpu.vector_load %arg12[%swap3A_280] {strides = array<i32>} : memref<272xf32, #tpu.memory_space<vmem>>, vector<16xf32>,
        tpu.vector_store %arg12[%swap3A_280], %add3A_279 {strides = array<i32>} : memref<272xf32, #tpu.memory_space<vmem>>, vector<16xf32>,
        %add3A_282 = arith.addi %mul3A_67, %mul3A_79 : i32
        %add3A_283 = arith.constant 3 : i32
        %add3A_284 = arith.addi %add3A_282, %add3A_283 : i32
        %get3A_285 = arith.index_cast %add3A_284 : i32 to index
        %get3A_286 = arith.constant 0 : index
        %get3A_287 = tpu.vector_load %arg9[%get3A_285, %get3A_286] {strides = array<i32>} : memref<256x128xf32, #tpu.memory_space<vmem>>, vector<16xf32>,
        %get3A_288 = arith.index_cast %add3A_284 : i32 to index
        %get3A_289 = arith.constant 0 : index
        %get3A_290 = tpu.vector_load %arg10[%get3A_288, %get3A_289] {strides = array<i32>} : memref<256x128xf32, #tpu.memory_space<vmem>>, vector<16xf32>,
        %mul3A_291 = arith.mulf %get3A_287, %get3A_290 : vector<16xf32>
        %get3A_292 = arith.index_cast %add3A_284 : i32 to index
        %get3A_293 = arith.constant 16 : index
        %get3A_294 = tpu.vector_load %arg9[%get3A_292, %get3A_293] {strides = array<i32>} : memref<256x128xf32, #tpu.memory_space<vmem>>, vector<16xf32>,
        %get3A_295 = arith.index_cast %add3A_284 : i32 to index
        %get3A_296 = arith.constant 16 : index
        %get3A_297 = tpu.vector_load %arg10[%get3A_295, %get3A_296] {strides = array<i32>} : memref<256x128xf32, #tpu.memory_space<vmem>>, vector<16xf32>,
        %mul3A_298 = arith.mulf %get3A_294, %get3A_297 : vector<16xf32>
        %add3A_299 = arith.addf %mul3A_291, %mul3A_298 : vector<16xf32>
        %get3A_300 = arith.index_cast %add3A_284 : i32 to index
        %get3A_301 = arith.constant 32 : index
        %get3A_302 = tpu.vector_load %arg9[%get3A_300, %get3A_301] {strides = array<i32>} : memref<256x128xf32, #tpu.memory_space<vmem>>, vector<16xf32>,
        %get3A_303 = arith.index_cast %add3A_284 : i32 to index
        %get3A_304 = arith.constant 32 : index
        %get3A_305 = tpu.vector_load %arg10[%get3A_303, %get3A_304] {strides = array<i32>} : memref<256x128xf32, #tpu.memory_space<vmem>>, vector<16xf32>,
        %mul3A_306 = arith.mulf %get3A_302, %get3A_305 : vector<16xf32>
        %add3A_307 = arith.addf %add3A_299, %mul3A_306 : vector<16xf32>
        %get3A_308 = arith.index_cast %add3A_284 : i32 to index
        %get3A_309 = arith.constant 48 : index
        %get3A_310 = tpu.vector_load %arg9[%get3A_308, %get3A_309] {strides = array<i32>} : memref<256x128xf32, #tpu.memory_space<vmem>>, vector<16xf32>,
        %get3A_311 = arith.index_cast %add3A_284 : i32 to index
        %get3A_312 = arith.constant 48 : index
        %get3A_313 = tpu.vector_load %arg10[%get3A_311, %get3A_312] {strides = array<i32>} : memref<256x128xf32, #tpu.memory_space<vmem>>, vector<16xf32>,
        %mul3A_314 = arith.mulf %get3A_310, %get3A_313 : vector<16xf32>
        %add3A_315 = arith.addf %add3A_307, %mul3A_314 : vector<16xf32>
        %get3A_316 = arith.index_cast %add3A_284 : i32 to index
        %get3A_317 = arith.constant 64 : index
        %get3A_318 = tpu.vector_load %arg9[%get3A_316, %get3A_317] {strides = array<i32>} : memref<256x128xf32, #tpu.memory_space<vmem>>, vector<16xf32>,
        %get3A_319 = arith.index_cast %add3A_284 : i32 to index
        %get3A_320 = arith.constant 64 : index
        %get3A_321 = tpu.vector_load %arg10[%get3A_319, %get3A_320] {strides = array<i32>} : memref<256x128xf32, #tpu.memory_space<vmem>>, vector<16xf32>,
        %mul3A_322 = arith.mulf %get3A_318, %get3A_321 : vector<16xf32>
        %add3A_323 = arith.addf %add3A_315, %mul3A_322 : vector<16xf32>
        %get3A_324 = arith.index_cast %add3A_284 : i32 to index
        %get3A_325 = arith.constant 80 : index
        %get3A_326 = tpu.vector_load %arg9[%get3A_324, %get3A_325] {strides = array<i32>} : memref<256x128xf32, #tpu.memory_space<vmem>>, vector<16xf32>,
        %get3A_327 = arith.index_cast %add3A_284 : i32 to index
        %get3A_328 = arith.constant 80 : index
        %get3A_329 = tpu.vector_load %arg10[%get3A_327, %get3A_328] {strides = array<i32>} : memref<256x128xf32, #tpu.memory_space<vmem>>, vector<16xf32>,
        %mul3A_330 = arith.mulf %get3A_326, %get3A_329 : vector<16xf32>
        %add3A_331 = arith.addf %add3A_323, %mul3A_330 : vector<16xf32>
        %get3A_332 = arith.index_cast %add3A_284 : i32 to index
        %get3A_333 = arith.constant 96 : index
        %get3A_334 = tpu.vector_load %arg9[%get3A_332, %get3A_333] {strides = array<i32>} : memref<256x128xf32, #tpu.memory_space<vmem>>, vector<16xf32>,
        %get3A_335 = arith.index_cast %add3A_284 : i32 to index
        %get3A_336 = arith.constant 96 : index
        %get3A_337 = tpu.vector_load %arg10[%get3A_335, %get3A_336] {strides = array<i32>} : memref<256x128xf32, #tpu.memory_space<vmem>>, vector<16xf32>,
        %mul3A_338 = arith.mulf %get3A_334, %get3A_337 : vector<16xf32>
        %add3A_339 = arith.addf %add3A_331, %mul3A_338 : vector<16xf32>
        %get3A_340 = arith.index_cast %add3A_284 : i32 to index
        %get3A_341 = arith.constant 112 : index
        %get3A_342 = tpu.vector_load %arg9[%get3A_340, %get3A_341] {strides = array<i32>} : memref<256x128xf32, #tpu.memory_space<vmem>>, vector<16xf32>,
        %get3A_343 = arith.index_cast %add3A_284 : i32 to index
        %get3A_344 = arith.constant 112 : index
        %get3A_345 = tpu.vector_load %arg10[%get3A_343, %get3A_344] {strides = array<i32>} : memref<256x128xf32, #tpu.memory_space<vmem>>, vector<16xf32>,
        %mul3A_346 = arith.mulf %get3A_342, %get3A_345 : vector<16xf32>
        %add3A_347 = arith.addf %add3A_339, %mul3A_346 : vector<16xf32>
        %swap3A_348 = arith.constant 51 : index
        %swap3A_349 = tpu.vector_load %arg12[%swap3A_348] {strides = array<i32>} : memref<272xf32, #tpu.memory_space<vmem>>, vector<16xf32>,
        tpu.vector_store %arg12[%swap3A_348], %add3A_347 {strides = array<i32>} : memref<272xf32, #tpu.memory_space<vmem>>, vector<16xf32>,
        %add3A_350 = arith.addi %mul3A_67, %mul3A_79 : i32
        %add3A_351 = arith.constant 4 : i32
        %add3A_352 = arith.addi %add3A_350, %add3A_351 : i32
        %get3A_353 = arith.index_cast %add3A_352 : i32 to index
        %get3A_354 = arith.constant 0 : index
        %get3A_355 = tpu.vector_load %arg9[%get3A_353, %get3A_354] {strides = array<i32>} : memref<256x128xf32, #tpu.memory_space<vmem>>, vector<16xf32>,
        %get3A_356 = arith.index_cast %add3A_352 : i32 to index
        %get3A_357 = arith.constant 0 : index
        %get3A_358 = tpu.vector_load %arg10[%get3A_356, %get3A_357] {strides = array<i32>} : memref<256x128xf32, #tpu.memory_space<vmem>>, vector<16xf32>,
        %mul3A_359 = arith.mulf %get3A_355, %get3A_358 : vector<16xf32>
        %get3A_360 = arith.index_cast %add3A_352 : i32 to index
        %get3A_361 = arith.constant 16 : index
        %get3A_362 = tpu.vector_load %arg9[%get3A_360, %get3A_361] {strides = array<i32>} : memref<256x128xf32, #tpu.memory_space<vmem>>, vector<16xf32>,
        %get3A_363 = arith.index_cast %add3A_352 : i32 to index
        %get3A_364 = arith.constant 16 : index
        %get3A_365 = tpu.vector_load %arg10[%get3A_363, %get3A_364] {strides = array<i32>} : memref<256x128xf32, #tpu.memory_space<vmem>>, vector<16xf32>,
        %mul3A_366 = arith.mulf %get3A_362, %get3A_365 : vector<16xf32>
        %add3A_367 = arith.addf %mul3A_359, %mul3A_366 : vector<16xf32>
        %get3A_368 = arith.index_cast %add3A_352 : i32 to index
        %get3A_369 = arith.constant 32 : index
        %get3A_370 = tpu.vector_load %arg9[%get3A_368, %get3A_369] {strides = array<i32>} : memref<256x128xf32, #tpu.memory_space<vmem>>, vector<16xf32>,
        %get3A_371 = arith.index_cast %add3A_352 : i32 to index
        %get3A_372 = arith.constant 32 : index
        %get3A_373 = tpu.vector_load %arg10[%get3A_371, %get3A_372] {strides = array<i32>} : memref<256x128xf32, #tpu.memory_space<vmem>>, vector<16xf32>,
        %mul3A_374 = arith.mulf %get3A_370, %get3A_373 : vector<16xf32>
        %add3A_375 = arith.addf %add3A_367, %mul3A_374 : vector<16xf32>
        %get3A_376 = arith.index_cast %add3A_352 : i32 to index
        %get3A_377 = arith.constant 48 : index
        %get3A_378 = tpu.vector_load %arg9[%get3A_376, %get3A_377] {strides = array<i32>} : memref<256x128xf32, #tpu.memory_space<vmem>>, vector<16xf32>,
        %get3A_379 = arith.index_cast %add3A_352 : i32 to index
        %get3A_380 = arith.constant 48 : index
        %get3A_381 = tpu.vector_load %arg10[%get3A_379, %get3A_380] {strides = array<i32>} : memref<256x128xf32, #tpu.memory_space<vmem>>, vector<16xf32>,
        %mul3A_382 = arith.mulf %get3A_378, %get3A_381 : vector<16xf32>
        %add3A_383 = arith.addf %add3A_375, %mul3A_382 : vector<16xf32>
        %get3A_384 = arith.index_cast %add3A_352 : i32 to index
        %get3A_385 = arith.constant 64 : index
        %get3A_386 = tpu.vector_load %arg9[%get3A_384, %get3A_385] {strides = array<i32>} : memref<256x128xf32, #tpu.memory_space<vmem>>, vector<16xf32>,
        %get3A_387 = arith.index_cast %add3A_352 : i32 to index
        %get3A_388 = arith.constant 64 : index
        %get3A_389 = tpu.vector_load %arg10[%get3A_387, %get3A_388] {strides = array<i32>} : memref<256x128xf32, #tpu.memory_space<vmem>>, vector<16xf32>,
        %mul3A_390 = arith.mulf %get3A_386, %get3A_389 : vector<16xf32>
        %add3A_391 = arith.addf %add3A_383, %mul3A_390 : vector<16xf32>
        %get3A_392 = arith.index_cast %add3A_352 : i32 to index
        %get3A_393 = arith.constant 80 : index
        %get3A_394 = tpu.vector_load %arg9[%get3A_392, %get3A_393] {strides = array<i32>} : memref<256x128xf32, #tpu.memory_space<vmem>>, vector<16xf32>,
        %get3A_395 = arith.index_cast %add3A_352 : i32 to index
        %get3A_396 = arith.constant 80 : index
        %get3A_397 = tpu.vector_load %arg10[%get3A_395, %get3A_396] {strides = array<i32>} : memref<256x128xf32, #tpu.memory_space<vmem>>, vector<16xf32>,
        %mul3A_398 = arith.mulf %get3A_394, %get3A_397 : vector<16xf32>
        %add3A_399 = arith.addf %add3A_391, %mul3A_398 : vector<16xf32>
        %get3A_400 = arith.index_cast %add3A_352 : i32 to index
        %get3A_401 = arith.constant 96 : index
        %get3A_402 = tpu.vector_load %arg9[%get3A_400, %get3A_401] {strides = array<i32>} : memref<256x128xf32, #tpu.memory_space<vmem>>, vector<16xf32>,
        %get3A_403 = arith.index_cast %add3A_352 : i32 to index
        %get3A_404 = arith.constant 96 : index
        %get3A_405 = tpu.vector_load %arg10[%get3A_403, %get3A_404] {strides = array<i32>} : memref<256x128xf32, #tpu.memory_space<vmem>>, vector<16xf32>,
        %mul3A_406 = arith.mulf %get3A_402, %get3A_405 : vector<16xf32>
        %add3A_407 = arith.addf %add3A_399, %mul3A_406 : vector<16xf32>
        %get3A_408 = arith.index_cast %add3A_352 : i32 to index
        %get3A_409 = arith.constant 112 : index
        %get3A_410 = tpu.vector_load %arg9[%get3A_408, %get3A_409] {strides = array<i32>} : memref<256x128xf32, #tpu.memory_space<vmem>>, vector<16xf32>,
        %get3A_411 = arith.index_cast %add3A_352 : i32 to index
        %get3A_412 = arith.constant 112 : index
        %get3A_413 = tpu.vector_load %arg10[%get3A_411, %get3A_412] {strides = array<i32>} : memref<256x128xf32, #tpu.memory_space<vmem>>, vector<16xf32>,
        %mul3A_414 = arith.mulf %get3A_410, %get3A_413 : vector<16xf32>
        %add3A_415 = arith.addf %add3A_407, %mul3A_414 : vector<16xf32>
        %swap3A_416 = arith.constant 68 : index
        %swap3A_417 = tpu.vector_load %arg12[%swap3A_416] {strides = array<i32>} : memref<272xf32, #tpu.memory_space<vmem>>, vector<16xf32>,
        tpu.vector_store %arg12[%swap3A_416], %add3A_415 {strides = array<i32>} : memref<272xf32, #tpu.memory_space<vmem>>, vector<16xf32>,
        %add3A_418 = arith.addi %mul3A_67, %mul3A_79 : i32
        %add3A_419 = arith.constant 5 : i32
        %add3A_420 = arith.addi %add3A_418, %add3A_419 : i32
        %get3A_421 = arith.index_cast %add3A_420 : i32 to index
        %get3A_422 = arith.constant 0 : index
        %get3A_423 = tpu.vector_load %arg9[%get3A_421, %get3A_422] {strides = array<i32>} : memref<256x128xf32, #tpu.memory_space<vmem>>, vector<16xf32>,
        %get3A_424 = arith.index_cast %add3A_420 : i32 to index
        %get3A_425 = arith.constant 0 : index
        %get3A_426 = tpu.vector_load %arg10[%get3A_424, %get3A_425] {strides = array<i32>} : memref<256x128xf32, #tpu.memory_space<vmem>>, vector<16xf32>,
        %mul3A_427 = arith.mulf %get3A_423, %get3A_426 : vector<16xf32>
        %get3A_428 = arith.index_cast %add3A_420 : i32 to index
        %get3A_429 = arith.constant 16 : index
        %get3A_430 = tpu.vector_load %arg9[%get3A_428, %get3A_429] {strides = array<i32>} : memref<256x128xf32, #tpu.memory_space<vmem>>, vector<16xf32>,
        %get3A_431 = arith.index_cast %add3A_420 : i32 to index
        %get3A_432 = arith.constant 16 : index
        %get3A_433 = tpu.vector_load %arg10[%get3A_431, %get3A_432] {strides = array<i32>} : memref<256x128xf32, #tpu.memory_space<vmem>>, vector<16xf32>,
        %mul3A_434 = arith.mulf %get3A_430, %get3A_433 : vector<16xf32>
        %add3A_435 = arith.addf %mul3A_427, %mul3A_434 : vector<16xf32>
        %get3A_436 = arith.index_cast %add3A_420 : i32 to index
        %get3A_437 = arith.constant 32 : index
        %get3A_438 = tpu.vector_load %arg9[%get3A_436, %get3A_437] {strides = array<i32>} : memref<256x128xf32, #tpu.memory_space<vmem>>, vector<16xf32>,
        %get3A_439 = arith.index_cast %add3A_420 : i32 to index
        %get3A_440 = arith.constant 32 : index
        %get3A_441 = tpu.vector_load %arg10[%get3A_439, %get3A_440] {strides = array<i32>} : memref<256x128xf32, #tpu.memory_space<vmem>>, vector<16xf32>,
        %mul3A_442 = arith.mulf %get3A_438, %get3A_441 : vector<16xf32>
        %add3A_443 = arith.addf %add3A_435, %mul3A_442 : vector<16xf32>
        %get3A_444 = arith.index_cast %add3A_420 : i32 to index
        %get3A_445 = arith.constant 48 : index
        %get3A_446 = tpu.vector_load %arg9[%get3A_444, %get3A_445] {strides = array<i32>} : memref<256x128xf32, #tpu.memory_space<vmem>>, vector<16xf32>,
        %get3A_447 = arith.index_cast %add3A_420 : i32 to index
        %get3A_448 = arith.constant 48 : index
        %get3A_449 = tpu.vector_load %arg10[%get3A_447, %get3A_448] {strides = array<i32>} : memref<256x128xf32, #tpu.memory_space<vmem>>, vector<16xf32>,
        %mul3A_450 = arith.mulf %get3A_446, %get3A_449 : vector<16xf32>
        %add3A_451 = arith.addf %add3A_443, %mul3A_450 : vector<16xf32>
        %get3A_452 = arith.index_cast %add3A_420 : i32 to index
        %get3A_453 = arith.constant 64 : index
        %get3A_454 = tpu.vector_load %arg9[%get3A_452, %get3A_453] {strides = array<i32>} : memref<256x128xf32, #tpu.memory_space<vmem>>, vector<16xf32>,
        %get3A_455 = arith.index_cast %add3A_420 : i32 to index
        %get3A_456 = arith.constant 64 : index
        %get3A_457 = tpu.vector_load %arg10[%get3A_455, %get3A_456] {strides = array<i32>} : memref<256x128xf32, #tpu.memory_space<vmem>>, vector<16xf32>,
        %mul3A_458 = arith.mulf %get3A_454, %get3A_457 : vector<16xf32>
        %add3A_459 = arith.addf %add3A_451, %mul3A_458 : vector<16xf32>
        %get3A_460 = arith.index_cast %add3A_420 : i32 to index
        %get3A_461 = arith.constant 80 : index
        %get3A_462 = tpu.vector_load %arg9[%get3A_460, %get3A_461] {strides = array<i32>} : memref<256x128xf32, #tpu.memory_space<vmem>>, vector<16xf32>,
        %get3A_463 = arith.index_cast %add3A_420 : i32 to index
        %get3A_464 = arith.constant 80 : index
        %get3A_465 = tpu.vector_load %arg10[%get3A_463, %get3A_464] {strides = array<i32>} : memref<256x128xf32, #tpu.memory_space<vmem>>, vector<16xf32>,
        %mul3A_466 = arith.mulf %get3A_462, %get3A_465 : vector<16xf32>
        %add3A_467 = arith.addf %add3A_459, %mul3A_466 : vector<16xf32>
        %get3A_468 = arith.index_cast %add3A_420 : i32 to index
        %get3A_469 = arith.constant 96 : index
        %get3A_470 = tpu.vector_load %arg9[%get3A_468, %get3A_469] {strides = array<i32>} : memref<256x128xf32, #tpu.memory_space<vmem>>, vector<16xf32>,
        %get3A_471 = arith.index_cast %add3A_420 : i32 to index
        %get3A_472 = arith.constant 96 : index
        %get3A_473 = tpu.vector_load %arg10[%get3A_471, %get3A_472] {strides = array<i32>} : memref<256x128xf32, #tpu.memory_space<vmem>>, vector<16xf32>,
        %mul3A_474 = arith.mulf %get3A_470, %get3A_473 : vector<16xf32>
        %add3A_475 = arith.addf %add3A_467, %mul3A_474 : vector<16xf32>
        %get3A_476 = arith.index_cast %add3A_420 : i32 to index
        %get3A_477 = arith.constant 112 : index
        %get3A_478 = tpu.vector_load %arg9[%get3A_476, %get3A_477] {strides = array<i32>} : memref<256x128xf32, #tpu.memory_space<vmem>>, vector<16xf32>,
        %get3A_479 = arith.index_cast %add3A_420 : i32 to index
        %get3A_480 = arith.constant 112 : index
        %get3A_481 = tpu.vector_load %arg10[%get3A_479, %get3A_480] {strides = array<i32>} : memref<256x128xf32, #tpu.memory_space<vmem>>, vector<16xf32>,
        %mul3A_482 = arith.mulf %get3A_478, %get3A_481 : vector<16xf32>
        %add3A_483 = arith.addf %add3A_475, %mul3A_482 : vector<16xf32>
        %swap3A_484 = arith.constant 85 : index
        %swap3A_485 = tpu.vector_load %arg12[%swap3A_484] {strides = array<i32>} : memref<272xf32, #tpu.memory_space<vmem>>, vector<16xf32>,
        tpu.vector_store %arg12[%swap3A_484], %add3A_483 {strides = array<i32>} : memref<272xf32, #tpu.memory_space<vmem>>, vector<16xf32>,
        %add3A_486 = arith.addi %mul3A_67, %mul3A_79 : i32
        %add3A_487 = arith.constant 6 : i32
        %add3A_488 = arith.addi %add3A_486, %add3A_487 : i32
        %get3A_489 = arith.index_cast %add3A_488 : i32 to index
        %get3A_490 = arith.constant 0 : index
        %get3A_491 = tpu.vector_load %arg9[%get3A_489, %get3A_490] {strides = array<i32>} : memref<256x128xf32, #tpu.memory_space<vmem>>, vector<16xf32>,
        %get3A_492 = arith.index_cast %add3A_488 : i32 to index
        %get3A_493 = arith.constant 0 : index
        %get3A_494 = tpu.vector_load %arg10[%get3A_492, %get3A_493] {strides = array<i32>} : memref<256x128xf32, #tpu.memory_space<vmem>>, vector<16xf32>,
        %mul3A_495 = arith.mulf %get3A_491, %get3A_494 : vector<16xf32>
        %get3A_496 = arith.index_cast %add3A_488 : i32 to index
        %get3A_497 = arith.constant 16 : index
        %get3A_498 = tpu.vector_load %arg9[%get3A_496, %get3A_497] {strides = array<i32>} : memref<256x128xf32, #tpu.memory_space<vmem>>, vector<16xf32>,
        %get3A_499 = arith.index_cast %add3A_488 : i32 to index
        %get3A_500 = arith.constant 16 : index
        %get3A_501 = tpu.vector_load %arg10[%get3A_499, %get3A_500] {strides = array<i32>} : memref<256x128xf32, #tpu.memory_space<vmem>>, vector<16xf32>,
        %mul3A_502 = arith.mulf %get3A_498, %get3A_501 : vector<16xf32>
        %add3A_503 = arith.addf %mul3A_495, %mul3A_502 : vector<16xf32>
        %get3A_504 = arith.index_cast %add3A_488 : i32 to index
        %get3A_505 = arith.constant 32 : index
        %get3A_506 = tpu.vector_load %arg9[%get3A_504, %get3A_505] {strides = array<i32>} : memref<256x128xf32, #tpu.memory_space<vmem>>, vector<16xf32>,
        %get3A_507 = arith.index_cast %add3A_488 : i32 to index
        %get3A_508 = arith.constant 32 : index
        %get3A_509 = tpu.vector_load %arg10[%get3A_507, %get3A_508] {strides = array<i32>} : memref<256x128xf32, #tpu.memory_space<vmem>>, vector<16xf32>,
        %mul3A_510 = arith.mulf %get3A_506, %get3A_509 : vector<16xf32>
        %add3A_511 = arith.addf %add3A_503, %mul3A_510 : vector<16xf32>
        %get3A_512 = arith.index_cast %add3A_488 : i32 to index
        %get3A_513 = arith.constant 48 : index
        %get3A_514 = tpu.vector_load %arg9[%get3A_512, %get3A_513] {strides = array<i32>} : memref<256x128xf32, #tpu.memory_space<vmem>>, vector<16xf32>,
        %get3A_515 = arith.index_cast %add3A_488 : i32 to index
        %get3A_516 = arith.constant 48 : index
        %get3A_517 = tpu.vector_load %arg10[%get3A_515, %get3A_516] {strides = array<i32>} : memref<256x128xf32, #tpu.memory_space<vmem>>, vector<16xf32>,
        %mul3A_518 = arith.mulf %get3A_514, %get3A_517 : vector<16xf32>
        %add3A_519 = arith.addf %add3A_511, %mul3A_518 : vector<16xf32>
        %get3A_520 = arith.index_cast %add3A_488 : i32 to index
        %get3A_521 = arith.constant 64 : index
        %get3A_522 = tpu.vector_load %arg9[%get3A_520, %get3A_521] {strides = array<i32>} : memref<256x128xf32, #tpu.memory_space<vmem>>, vector<16xf32>,
        %get3A_523 = arith.index_cast %add3A_488 : i32 to index
        %get3A_524 = arith.constant 64 : index
        %get3A_525 = tpu.vector_load %arg10[%get3A_523, %get3A_524] {strides = array<i32>} : memref<256x128xf32, #tpu.memory_space<vmem>>, vector<16xf32>,
        %mul3A_526 = arith.mulf %get3A_522, %get3A_525 : vector<16xf32>
        %add3A_527 = arith.addf %add3A_519, %mul3A_526 : vector<16xf32>
        %get3A_528 = arith.index_cast %add3A_488 : i32 to index
        %get3A_529 = arith.constant 80 : index
        %get3A_530 = tpu.vector_load %arg9[%get3A_528, %get3A_529] {strides = array<i32>} : memref<256x128xf32, #tpu.memory_space<vmem>>, vector<16xf32>,
        %get3A_531 = arith.index_cast %add3A_488 : i32 to index
        %get3A_532 = arith.constant 80 : index
        %get3A_533 = tpu.vector_load %arg10[%get3A_531, %get3A_532] {strides = array<i32>} : memref<256x128xf32, #tpu.memory_space<vmem>>, vector<16xf32>,
        %mul3A_534 = arith.mulf %get3A_530, %get3A_533 : vector<16xf32>
        %add3A_535 = arith.addf %add3A_527, %mul3A_534 : vector<16xf32>
        %get3A_536 = arith.index_cast %add3A_488 : i32 to index
        %get3A_537 = arith.constant 96 : index
        %get3A_538 = tpu.vector_load %arg9[%get3A_536, %get3A_537] {strides = array<i32>} : memref<256x128xf32, #tpu.memory_space<vmem>>, vector<16xf32>,
        %get3A_539 = arith.index_cast %add3A_488 : i32 to index
        %get3A_540 = arith.constant 96 : index
        %get3A_541 = tpu.vector_load %arg10[%get3A_539, %get3A_540] {strides = array<i32>} : memref<256x128xf32, #tpu.memory_space<vmem>>, vector<16xf32>,
        %mul3A_542 = arith.mulf %get3A_538, %get3A_541 : vector<16xf32>
        %add3A_543 = arith.addf %add3A_535, %mul3A_542 : vector<16xf32>
        %get3A_544 = arith.index_cast %add3A_488 : i32 to index
        %get3A_545 = arith.constant 112 : index
        %get3A_546 = tpu.vector_load %arg9[%get3A_544, %get3A_545] {strides = array<i32>} : memref<256x128xf32, #tpu.memory_space<vmem>>, vector<16xf32>,
        %get3A_547 = arith.index_cast %add3A_488 : i32 to index
        %get3A_548 = arith.constant 112 : index
        %get3A_549 = tpu.vector_load %arg10[%get3A_547, %get3A_548] {strides = array<i32>} : memref<256x128xf32, #tpu.memory_space<vmem>>, vector<16xf32>,
        %mul3A_550 = arith.mulf %get3A_546, %get3A_549 : vector<16xf32>
        %add3A_551 = arith.addf %add3A_543, %mul3A_550 : vector<16xf32>
        %swap3A_552 = arith.constant 102 : index
        %swap3A_553 = tpu.vector_load %arg12[%swap3A_552] {strides = array<i32>} : memref<272xf32, #tpu.memory_space<vmem>>, vector<16xf32>,
        tpu.vector_store %arg12[%swap3A_552], %add3A_551 {strides = array<i32>} : memref<272xf32, #tpu.memory_space<vmem>>, vector<16xf32>,
        %add3A_554 = arith.addi %mul3A_67, %mul3A_79 : i32
        %add3A_555 = arith.constant 7 : i32
        %add3A_556 = arith.addi %add3A_554, %add3A_555 : i32
        %get3A_557 = arith.index_cast %add3A_556 : i32 to index
        %get3A_558 = arith.constant 0 : index
        %get3A_559 = tpu.vector_load %arg9[%get3A_557, %get3A_558] {strides = array<i32>} : memref<256x128xf32, #tpu.memory_space<vmem>>, vector<16xf32>,
        %get3A_560 = arith.index_cast %add3A_556 : i32 to index
        %get3A_561 = arith.constant 0 : index
        %get3A_562 = tpu.vector_load %arg10[%get3A_560, %get3A_561] {strides = array<i32>} : memref<256x128xf32, #tpu.memory_space<vmem>>, vector<16xf32>,
        %mul3A_563 = arith.mulf %get3A_559, %get3A_562 : vector<16xf32>
        %get3A_564 = arith.index_cast %add3A_556 : i32 to index
        %get3A_565 = arith.constant 16 : index
        %get3A_566 = tpu.vector_load %arg9[%get3A_564, %get3A_565] {strides = array<i32>} : memref<256x128xf32, #tpu.memory_space<vmem>>, vector<16xf32>,
        %get3A_567 = arith.index_cast %add3A_556 : i32 to index
        %get3A_568 = arith.constant 16 : index
        %get3A_569 = tpu.vector_load %arg10[%get3A_567, %get3A_568] {strides = array<i32>} : memref<256x128xf32, #tpu.memory_space<vmem>>, vector<16xf32>,
        %mul3A_570 = arith.mulf %get3A_566, %get3A_569 : vector<16xf32>
        %add3A_571 = arith.addf %mul3A_563, %mul3A_570 : vector<16xf32>
        %get3A_572 = arith.index_cast %add3A_556 : i32 to index
        %get3A_573 = arith.constant 32 : index
        %get3A_574 = tpu.vector_load %arg9[%get3A_572, %get3A_573] {strides = array<i32>} : memref<256x128xf32, #tpu.memory_space<vmem>>, vector<16xf32>,
        %get3A_575 = arith.index_cast %add3A_556 : i32 to index
        %get3A_576 = arith.constant 32 : index
        %get3A_577 = tpu.vector_load %arg10[%get3A_575, %get3A_576] {strides = array<i32>} : memref<256x128xf32, #tpu.memory_space<vmem>>, vector<16xf32>,
        %mul3A_578 = arith.mulf %get3A_574, %get3A_577 : vector<16xf32>
        %add3A_579 = arith.addf %add3A_571, %mul3A_578 : vector<16xf32>
        %get3A_580 = arith.index_cast %add3A_556 : i32 to index
        %get3A_581 = arith.constant 48 : index
        %get3A_582 = tpu.vector_load %arg9[%get3A_580, %get3A_581] {strides = array<i32>} : memref<256x128xf32, #tpu.memory_space<vmem>>, vector<16xf32>,
        %get3A_583 = arith.index_cast %add3A_556 : i32 to index
        %get3A_584 = arith.constant 48 : index
        %get3A_585 = tpu.vector_load %arg10[%get3A_583, %get3A_584] {strides = array<i32>} : memref<256x128xf32, #tpu.memory_space<vmem>>, vector<16xf32>,
        %mul3A_586 = arith.mulf %get3A_582, %get3A_585 : vector<16xf32>
        %add3A_587 = arith.addf %add3A_579, %mul3A_586 : vector<16xf32>
        %get3A_588 = arith.index_cast %add3A_556 : i32 to index
        %get3A_589 = arith.constant 64 : index
        %get3A_590 = tpu.vector_load %arg9[%get3A_588, %get3A_589] {strides = array<i32>} : memref<256x128xf32, #tpu.memory_space<vmem>>, vector<16xf32>,
        %get3A_591 = arith.index_cast %add3A_556 : i32 to index
        %get3A_592 = arith.constant 64 : index
        %get3A_593 = tpu.vector_load %arg10[%get3A_591, %get3A_592] {strides = array<i32>} : memref<256x128xf32, #tpu.memory_space<vmem>>, vector<16xf32>,
        %mul3A_594 = arith.mulf %get3A_590, %get3A_593 : vector<16xf32>
        %add3A_595 = arith.addf %add3A_587, %mul3A_594 : vector<16xf32>
        %get3A_596 = arith.index_cast %add3A_556 : i32 to index
        %get3A_597 = arith.constant 80 : index
        %get3A_598 = tpu.vector_load %arg9[%get3A_596, %get3A_597] {strides = array<i32>} : memref<256x128xf32, #tpu.memory_space<vmem>>, vector<16xf32>,
        %get3A_599 = arith.index_cast %add3A_556 : i32 to index
        %get3A_600 = arith.constant 80 : index
        %get3A_601 = tpu.vector_load %arg10[%get3A_599, %get3A_600] {strides = array<i32>} : memref<256x128xf32, #tpu.memory_space<vmem>>, vector<16xf32>,
        %mul3A_602 = arith.mulf %get3A_598, %get3A_601 : vector<16xf32>
        %add3A_603 = arith.addf %add3A_595, %mul3A_602 : vector<16xf32>
        %get3A_604 = arith.index_cast %add3A_556 : i32 to index
        %get3A_605 = arith.constant 96 : index
        %get3A_606 = tpu.vector_load %arg9[%get3A_604, %get3A_605] {strides = array<i32>} : memref<256x128xf32, #tpu.memory_space<vmem>>, vector<16xf32>,
        %get3A_607 = arith.index_cast %add3A_556 : i32 to index
        %get3A_608 = arith.constant 96 : index
        %get3A_609 = tpu.vector_load %arg10[%get3A_607, %get3A_608] {strides = array<i32>} : memref<256x128xf32, #tpu.memory_space<vmem>>, vector<16xf32>,
        %mul3A_610 = arith.mulf %get3A_606, %get3A_609 : vector<16xf32>
        %add3A_611 = arith.addf %add3A_603, %mul3A_610 : vector<16xf32>
        %get3A_612 = arith.index_cast %add3A_556 : i32 to index
        %get3A_613 = arith.constant 112 : index
        %get3A_614 = tpu.vector_load %arg9[%get3A_612, %get3A_613] {strides = array<i32>} : memref<256x128xf32, #tpu.memory_space<vmem>>, vector<16xf32>,
        %get3A_615 = arith.index_cast %add3A_556 : i32 to index
        %get3A_616 = arith.constant 112 : index
        %get3A_617 = tpu.vector_load %arg10[%get3A_615, %get3A_616] {strides = array<i32>} : memref<256x128xf32, #tpu.memory_space<vmem>>, vector<16xf32>,
        %mul3A_618 = arith.mulf %get3A_614, %get3A_617 : vector<16xf32>
        %add3A_619 = arith.addf %add3A_611, %mul3A_618 : vector<16xf32>
        %swap3A_620 = arith.constant 119 : index
        %swap3A_621 = tpu.vector_load %arg12[%swap3A_620] {strides = array<i32>} : memref<272xf32, #tpu.memory_space<vmem>>, vector<16xf32>,
        tpu.vector_store %arg12[%swap3A_620], %add3A_619 {strides = array<i32>} : memref<272xf32, #tpu.memory_space<vmem>>, vector<16xf32>,
        %add3A_622 = arith.addi %mul3A_67, %mul3A_79 : i32
        %add3A_623 = arith.constant 8 : i32
        %add3A_624 = arith.addi %add3A_622, %add3A_623 : i32
        %get3A_625 = arith.index_cast %add3A_624 : i32 to index
        %get3A_626 = arith.constant 0 : index
        %get3A_627 = tpu.vector_load %arg9[%get3A_625, %get3A_626] {strides = array<i32>} : memref<256x128xf32, #tpu.memory_space<vmem>>, vector<16xf32>,
        %get3A_628 = arith.index_cast %add3A_624 : i32 to index
        %get3A_629 = arith.constant 0 : index
        %get3A_630 = tpu.vector_load %arg10[%get3A_628, %get3A_629] {strides = array<i32>} : memref<256x128xf32, #tpu.memory_space<vmem>>, vector<16xf32>,
        %mul3A_631 = arith.mulf %get3A_627, %get3A_630 : vector<16xf32>
        %get3A_632 = arith.index_cast %add3A_624 : i32 to index
        %get3A_633 = arith.constant 16 : index
        %get3A_634 = tpu.vector_load %arg9[%get3A_632, %get3A_633] {strides = array<i32>} : memref<256x128xf32, #tpu.memory_space<vmem>>, vector<16xf32>,
        %get3A_635 = arith.index_cast %add3A_624 : i32 to index
        %get3A_636 = arith.constant 16 : index
        %get3A_637 = tpu.vector_load %arg10[%get3A_635, %get3A_636] {strides = array<i32>} : memref<256x128xf32, #tpu.memory_space<vmem>>, vector<16xf32>,
        %mul3A_638 = arith.mulf %get3A_634, %get3A_637 : vector<16xf32>
        %add3A_639 = arith.addf %mul3A_631, %mul3A_638 : vector<16xf32>
        %get3A_640 = arith.index_cast %add3A_624 : i32 to index
        %get3A_641 = arith.constant 32 : index
        %get3A_642 = tpu.vector_load %arg9[%get3A_640, %get3A_641] {strides = array<i32>} : memref<256x128xf32, #tpu.memory_space<vmem>>, vector<16xf32>,
        %get3A_643 = arith.index_cast %add3A_624 : i32 to index
        %get3A_644 = arith.constant 32 : index
        %get3A_645 = tpu.vector_load %arg10[%get3A_643, %get3A_644] {strides = array<i32>} : memref<256x128xf32, #tpu.memory_space<vmem>>, vector<16xf32>,
        %mul3A_646 = arith.mulf %get3A_642, %get3A_645 : vector<16xf32>
        %add3A_647 = arith.addf %add3A_639, %mul3A_646 : vector<16xf32>
        %get3A_648 = arith.index_cast %add3A_624 : i32 to index
        %get3A_649 = arith.constant 48 : index
        %get3A_650 = tpu.vector_load %arg9[%get3A_648, %get3A_649] {strides = array<i32>} : memref<256x128xf32, #tpu.memory_space<vmem>>, vector<16xf32>,
        %get3A_651 = arith.index_cast %add3A_624 : i32 to index
        %get3A_652 = arith.constant 48 : index
        %get3A_653 = tpu.vector_load %arg10[%get3A_651, %get3A_652] {strides = array<i32>} : memref<256x128xf32, #tpu.memory_space<vmem>>, vector<16xf32>,
        %mul3A_654 = arith.mulf %get3A_650, %get3A_653 : vector<16xf32>
        %add3A_655 = arith.addf %add3A_647, %mul3A_654 : vector<16xf32>
        %get3A_656 = arith.index_cast %add3A_624 : i32 to index
        %get3A_657 = arith.constant 64 : index
        %get3A_658 = tpu.vector_load %arg9[%get3A_656, %get3A_657] {strides = array<i32>} : memref<256x128xf32, #tpu.memory_space<vmem>>, vector<16xf32>,
        %get3A_659 = arith.index_cast %add3A_624 : i32 to index
        %get3A_660 = arith.constant 64 : index
        %get3A_661 = tpu.vector_load %arg10[%get3A_659, %get3A_660] {strides = array<i32>} : memref<256x128xf32, #tpu.memory_space<vmem>>, vector<16xf32>,
        %mul3A_662 = arith.mulf %get3A_658, %get3A_661 : vector<16xf32>
        %add3A_663 = arith.addf %add3A_655, %mul3A_662 : vector<16xf32>
        %get3A_664 = arith.index_cast %add3A_624 : i32 to index
        %get3A_665 = arith.constant 80 : index
        %get3A_666 = tpu.vector_load %arg9[%get3A_664, %get3A_665] {strides = array<i32>} : memref<256x128xf32, #tpu.memory_space<vmem>>, vector<16xf32>,
        %get3A_667 = arith.index_cast %add3A_624 : i32 to index
        %get3A_668 = arith.constant 80 : index
        %get3A_669 = tpu.vector_load %arg10[%get3A_667, %get3A_668] {strides = array<i32>} : memref<256x128xf32, #tpu.memory_space<vmem>>, vector<16xf32>,
        %mul3A_670 = arith.mulf %get3A_666, %get3A_669 : vector<16xf32>
        %add3A_671 = arith.addf %add3A_663, %mul3A_670 : vector<16xf32>
        %get3A_672 = arith.index_cast %add3A_624 : i32 to index
        %get3A_673 = arith.constant 96 : index
        %get3A_674 = tpu.vector_load %arg9[%get3A_672, %get3A_673] {strides = array<i32>} : memref<256x128xf32, #tpu.memory_space<vmem>>, vector<16xf32>,
        %get3A_675 = arith.index_cast %add3A_624 : i32 to index
        %get3A_676 = arith.constant 96 : index
        %get3A_677 = tpu.vector_load %arg10[%get3A_675, %get3A_676] {strides = array<i32>} : memref<256x128xf32, #tpu.memory_space<vmem>>, vector<16xf32>,
        %mul3A_678 = arith.mulf %get3A_674, %get3A_677 : vector<16xf32>
        %add3A_679 = arith.addf %add3A_671, %mul3A_678 : vector<16xf32>
        %get3A_680 = arith.index_cast %add3A_624 : i32 to index
        %get3A_681 = arith.constant 112 : index
        %get3A_682 = tpu.vector_load %arg9[%get3A_680, %get3A_681] {strides = array<i32>} : memref<256x128xf32, #tpu.memory_space<vmem>>, vector<16xf32>,
        %get3A_683 = arith.index_cast %add3A_624 : i32 to index
        %get3A_684 = arith.constant 112 : index
        %get3A_685 = tpu.vector_load %arg10[%get3A_683, %get3A_684] {strides = array<i32>} : memref<256x128xf32, #tpu.memory_space<vmem>>, vector<16xf32>,
        %mul3A_686 = arith.mulf %get3A_682, %get3A_685 : vector<16xf32>
        %add3A_687 = arith.addf %add3A_679, %mul3A_686 : vector<16xf32>
        %swap3A_688 = arith.constant 136 : index
        %swap3A_689 = tpu.vector_load %arg12[%swap3A_688] {strides = array<i32>} : memref<272xf32, #tpu.memory_space<vmem>>, vector<16xf32>,
        tpu.vector_store %arg12[%swap3A_688], %add3A_687 {strides = array<i32>} : memref<272xf32, #tpu.memory_space<vmem>>, vector<16xf32>,
        %add3A_690 = arith.addi %mul3A_67, %mul3A_79 : i32
        %add3A_691 = arith.constant 9 : i32
        %add3A_692 = arith.addi %add3A_690, %add3A_691 : i32
        %get3A_693 = arith.index_cast %add3A_692 : i32 to index
        %get3A_694 = arith.constant 0 : index
        %get3A_695 = tpu.vector_load %arg9[%get3A_693, %get3A_694] {strides = array<i32>} : memref<256x128xf32, #tpu.memory_space<vmem>>, vector<16xf32>,
        %get3A_696 = arith.index_cast %add3A_692 : i32 to index
        %get3A_697 = arith.constant 0 : index
        %get3A_698 = tpu.vector_load %arg10[%get3A_696, %get3A_697] {strides = array<i32>} : memref<256x128xf32, #tpu.memory_space<vmem>>, vector<16xf32>,
        %mul3A_699 = arith.mulf %get3A_695, %get3A_698 : vector<16xf32>
        %get3A_700 = arith.index_cast %add3A_692 : i32 to index
        %get3A_701 = arith.constant 16 : index
        %get3A_702 = tpu.vector_load %arg9[%get3A_700, %get3A_701] {strides = array<i32>} : memref<256x128xf32, #tpu.memory_space<vmem>>, vector<16xf32>,
        %get3A_703 = arith.index_cast %add3A_692 : i32 to index
        %get3A_704 = arith.constant 16 : index
        %get3A_705 = tpu.vector_load %arg10[%get3A_703, %get3A_704] {strides = array<i32>} : memref<256x128xf32, #tpu.memory_space<vmem>>, vector<16xf32>,
        %mul3A_706 = arith.mulf %get3A_702, %get3A_705 : vector<16xf32>
        %add3A_707 = arith.addf %mul3A_699, %mul3A_706 : vector<16xf32>
        %get3A_708 = arith.index_cast %add3A_692 : i32 to index
        %get3A_709 = arith.constant 32 : index
        %get3A_710 = tpu.vector_load %arg9[%get3A_708, %get3A_709] {strides = array<i32>} : memref<256x128xf32, #tpu.memory_space<vmem>>, vector<16xf32>,
        %get3A_711 = arith.index_cast %add3A_692 : i32 to index
        %get3A_712 = arith.constant 32 : index
        %get3A_713 = tpu.vector_load %arg10[%get3A_711, %get3A_712] {strides = array<i32>} : memref<256x128xf32, #tpu.memory_space<vmem>>, vector<16xf32>,
        %mul3A_714 = arith.mulf %get3A_710, %get3A_713 : vector<16xf32>
        %add3A_715 = arith.addf %add3A_707, %mul3A_714 : vector<16xf32>
        %get3A_716 = arith.index_cast %add3A_692 : i32 to index
        %get3A_717 = arith.constant 48 : index
        %get3A_718 = tpu.vector_load %arg9[%get3A_716, %get3A_717] {strides = array<i32>} : memref<256x128xf32, #tpu.memory_space<vmem>>, vector<16xf32>,
        %get3A_719 = arith.index_cast %add3A_692 : i32 to index
        %get3A_720 = arith.constant 48 : index
        %get3A_721 = tpu.vector_load %arg10[%get3A_719, %get3A_720] {strides = array<i32>} : memref<256x128xf32, #tpu.memory_space<vmem>>, vector<16xf32>,
        %mul3A_722 = arith.mulf %get3A_718, %get3A_721 : vector<16xf32>
        %add3A_723 = arith.addf %add3A_715, %mul3A_722 : vector<16xf32>
        %get3A_724 = arith.index_cast %add3A_692 : i32 to index
        %get3A_725 = arith.constant 64 : index
        %get3A_726 = tpu.vector_load %arg9[%get3A_724, %get3A_725] {strides = array<i32>} : memref<256x128xf32, #tpu.memory_space<vmem>>, vector<16xf32>,
        %get3A_727 = arith.index_cast %add3A_692 : i32 to index
        %get3A_728 = arith.constant 64 : index
        %get3A_729 = tpu.vector_load %arg10[%get3A_727, %get3A_728] {strides = array<i32>} : memref<256x128xf32, #tpu.memory_space<vmem>>, vector<16xf32>,
        %mul3A_730 = arith.mulf %get3A_726, %get3A_729 : vector<16xf32>
        %add3A_731 = arith.addf %add3A_723, %mul3A_730 : vector<16xf32>
        %get3A_732 = arith.index_cast %add3A_692 : i32 to index
        %get3A_733 = arith.constant 80 : index
        %get3A_734 = tpu.vector_load %arg9[%get3A_732, %get3A_733] {strides = array<i32>} : memref<256x128xf32, #tpu.memory_space<vmem>>, vector<16xf32>,
        %get3A_735 = arith.index_cast %add3A_692 : i32 to index
        %get3A_736 = arith.constant 80 : index
        %get3A_737 = tpu.vector_load %arg10[%get3A_735, %get3A_736] {strides = array<i32>} : memref<256x128xf32, #tpu.memory_space<vmem>>, vector<16xf32>,
        %mul3A_738 = arith.mulf %get3A_734, %get3A_737 : vector<16xf32>
        %add3A_739 = arith.addf %add3A_731, %mul3A_738 : vector<16xf32>
        %get3A_740 = arith.index_cast %add3A_692 : i32 to index
        %get3A_741 = arith.constant 96 : index
        %get3A_742 = tpu.vector_load %arg9[%get3A_740, %get3A_741] {strides = array<i32>} : memref<256x128xf32, #tpu.memory_space<vmem>>, vector<16xf32>,
        %get3A_743 = arith.index_cast %add3A_692 : i32 to index
        %get3A_744 = arith.constant 96 : index
        %get3A_745 = tpu.vector_load %arg10[%get3A_743, %get3A_744] {strides = array<i32>} : memref<256x128xf32, #tpu.memory_space<vmem>>, vector<16xf32>,
        %mul3A_746 = arith.mulf %get3A_742, %get3A_745 : vector<16xf32>
        %add3A_747 = arith.addf %add3A_739, %mul3A_746 : vector<16xf32>
        %get3A_748 = arith.index_cast %add3A_692 : i32 to index
        %get3A_749 = arith.constant 112 : index
        %get3A_750 = tpu.vector_load %arg9[%get3A_748, %get3A_749] {strides = array<i32>} : memref<256x128xf32, #tpu.memory_space<vmem>>, vector<16xf32>,
        %get3A_751 = arith.index_cast %add3A_692 : i32 to index
        %get3A_752 = arith.constant 112 : index
        %get3A_753 = tpu.vector_load %arg10[%get3A_751, %get3A_752] {strides = array<i32>} : memref<256x128xf32, #tpu.memory_space<vmem>>, vector<16xf32>,
        %mul3A_754 = arith.mulf %get3A_750, %get3A_753 : vector<16xf32>
        %add3A_755 = arith.addf %add3A_747, %mul3A_754 : vector<16xf32>
        %swap3A_756 = arith.constant 153 : index
        %swap3A_757 = tpu.vector_load %arg12[%swap3A_756] {strides = array<i32>} : memref<272xf32, #tpu.memory_space<vmem>>, vector<16xf32>,
        tpu.vector_store %arg12[%swap3A_756], %add3A_755 {strides = array<i32>} : memref<272xf32, #tpu.memory_space<vmem>>, vector<16xf32>,
        %add3A_758 = arith.addi %mul3A_67, %mul3A_79 : i32
        %add3A_759 = arith.constant 10 : i32
        %add3A_760 = arith.addi %add3A_758, %add3A_759 : i32
        %get3A_761 = arith.index_cast %add3A_760 : i32 to index
        %get3A_762 = arith.constant 0 : index
        %get3A_763 = tpu.vector_load %arg9[%get3A_761, %get3A_762] {strides = array<i32>} : memref<256x128xf32, #tpu.memory_space<vmem>>, vector<16xf32>,
        %get3A_764 = arith.index_cast %add3A_760 : i32 to index
        %get3A_765 = arith.constant 0 : index
        %get3A_766 = tpu.vector_load %arg10[%get3A_764, %get3A_765] {strides = array<i32>} : memref<256x128xf32, #tpu.memory_space<vmem>>, vector<16xf32>,
        %mul3A_767 = arith.mulf %get3A_763, %get3A_766 : vector<16xf32>
        %get3A_768 = arith.index_cast %add3A_760 : i32 to index
        %get3A_769 = arith.constant 16 : index
        %get3A_770 = tpu.vector_load %arg9[%get3A_768, %get3A_769] {strides = array<i32>} : memref<256x128xf32, #tpu.memory_space<vmem>>, vector<16xf32>,
        %get3A_771 = arith.index_cast %add3A_760 : i32 to index
        %get3A_772 = arith.constant 16 : index
        %get3A_773 = tpu.vector_load %arg10[%get3A_771, %get3A_772] {strides = array<i32>} : memref<256x128xf32, #tpu.memory_space<vmem>>, vector<16xf32>,
        %mul3A_774 = arith.mulf %get3A_770, %get3A_773 : vector<16xf32>
        %add3A_775 = arith.addf %mul3A_767, %mul3A_774 : vector<16xf32>
        %get3A_776 = arith.index_cast %add3A_760 : i32 to index
        %get3A_777 = arith.constant 32 : index
        %get3A_778 = tpu.vector_load %arg9[%get3A_776, %get3A_777] {strides = array<i32>} : memref<256x128xf32, #tpu.memory_space<vmem>>, vector<16xf32>,
        %get3A_779 = arith.index_cast %add3A_760 : i32 to index
        %get3A_780 = arith.constant 32 : index
        %get3A_781 = tpu.vector_load %arg10[%get3A_779, %get3A_780] {strides = array<i32>} : memref<256x128xf32, #tpu.memory_space<vmem>>, vector<16xf32>,
        %mul3A_782 = arith.mulf %get3A_778, %get3A_781 : vector<16xf32>
        %add3A_783 = arith.addf %add3A_775, %mul3A_782 : vector<16xf32>
        %get3A_784 = arith.index_cast %add3A_760 : i32 to index
        %get3A_785 = arith.constant 48 : index
        %get3A_786 = tpu.vector_load %arg9[%get3A_784, %get3A_785] {strides = array<i32>} : memref<256x128xf32, #tpu.memory_space<vmem>>, vector<16xf32>,
        %get3A_787 = arith.index_cast %add3A_760 : i32 to index
        %get3A_788 = arith.constant 48 : index
        %get3A_789 = tpu.vector_load %arg10[%get3A_787, %get3A_788] {strides = array<i32>} : memref<256x128xf32, #tpu.memory_space<vmem>>, vector<16xf32>,
        %mul3A_790 = arith.mulf %get3A_786, %get3A_789 : vector<16xf32>
        %add3A_791 = arith.addf %add3A_783, %mul3A_790 : vector<16xf32>
        %get3A_792 = arith.index_cast %add3A_760 : i32 to index
        %get3A_793 = arith.constant 64 : index
        %get3A_794 = tpu.vector_load %arg9[%get3A_792, %get3A_793] {strides = array<i32>} : memref<256x128xf32, #tpu.memory_space<vmem>>, vector<16xf32>,
        %get3A_795 = arith.index_cast %add3A_760 : i32 to index
        %get3A_796 = arith.constant 64 : index
        %get3A_797 = tpu.vector_load %arg10[%get3A_795, %get3A_796] {strides = array<i32>} : memref<256x128xf32, #tpu.memory_space<vmem>>, vector<16xf32>,
        %mul3A_798 = arith.mulf %get3A_794, %get3A_797 : vector<16xf32>
        %add3A_799 = arith.addf %add3A_791, %mul3A_798 : vector<16xf32>
        %get3A_800 = arith.index_cast %add3A_760 : i32 to index
        %get3A_801 = arith.constant 80 : index
        %get3A_802 = tpu.vector_load %arg9[%get3A_800, %get3A_801] {strides = array<i32>} : memref<256x128xf32, #tpu.memory_space<vmem>>, vector<16xf32>,
        %get3A_803 = arith.index_cast %add3A_760 : i32 to index
        %get3A_804 = arith.constant 80 : index
        %get3A_805 = tpu.vector_load %arg10[%get3A_803, %get3A_804] {strides = array<i32>} : memref<256x128xf32, #tpu.memory_space<vmem>>, vector<16xf32>,
        %mul3A_806 = arith.mulf %get3A_802, %get3A_805 : vector<16xf32>
        %add3A_807 = arith.addf %add3A_799, %mul3A_806 : vector<16xf32>
        %get3A_808 = arith.index_cast %add3A_760 : i32 to index
        %get3A_809 = arith.constant 96 : index
        %get3A_810 = tpu.vector_load %arg9[%get3A_808, %get3A_809] {strides = array<i32>} : memref<256x128xf32, #tpu.memory_space<vmem>>, vector<16xf32>,
        %get3A_811 = arith.index_cast %add3A_760 : i32 to index
        %get3A_812 = arith.constant 96 : index
        %get3A_813 = tpu.vector_load %arg10[%get3A_811, %get3A_812] {strides = array<i32>} : memref<256x128xf32, #tpu.memory_space<vmem>>, vector<16xf32>,
        %mul3A_814 = arith.mulf %get3A_810, %get3A_813 : vector<16xf32>
        %add3A_815 = arith.addf %add3A_807, %mul3A_814 : vector<16xf32>
        %get3A_816 = arith.index_cast %add3A_760 : i32 to index
        %get3A_817 = arith.constant 112 : index
        %get3A_818 = tpu.vector_load %arg9[%get3A_816, %get3A_817] {strides = array<i32>} : memref<256x128xf32, #tpu.memory_space<vmem>>, vector<16xf32>,
        %get3A_819 = arith.index_cast %add3A_760 : i32 to index
        %get3A_820 = arith.constant 112 : index
        %get3A_821 = tpu.vector_load %arg10[%get3A_819, %get3A_820] {strides = array<i32>} : memref<256x128xf32, #tpu.memory_space<vmem>>, vector<16xf32>,
        %mul3A_822 = arith.mulf %get3A_818, %get3A_821 : vector<16xf32>
        %add3A_823 = arith.addf %add3A_815, %mul3A_822 : vector<16xf32>
        %swap3A_824 = arith.constant 170 : index
        %swap3A_825 = tpu.vector_load %arg12[%swap3A_824] {strides = array<i32>} : memref<272xf32, #tpu.memory_space<vmem>>, vector<16xf32>,
        tpu.vector_store %arg12[%swap3A_824], %add3A_823 {strides = array<i32>} : memref<272xf32, #tpu.memory_space<vmem>>, vector<16xf32>,
        %add3A_826 = arith.addi %mul3A_67, %mul3A_79 : i32
        %add3A_827 = arith.constant 11 : i32
        %add3A_828 = arith.addi %add3A_826, %add3A_827 : i32
        %get3A_829 = arith.index_cast %add3A_828 : i32 to index
        %get3A_830 = arith.constant 0 : index
        %get3A_831 = tpu.vector_load %arg9[%get3A_829, %get3A_830] {strides = array<i32>} : memref<256x128xf32, #tpu.memory_space<vmem>>, vector<16xf32>,
        %get3A_832 = arith.index_cast %add3A_828 : i32 to index
        %get3A_833 = arith.constant 0 : index
        %get3A_834 = tpu.vector_load %arg10[%get3A_832, %get3A_833] {strides = array<i32>} : memref<256x128xf32, #tpu.memory_space<vmem>>, vector<16xf32>,
        %mul3A_835 = arith.mulf %get3A_831, %get3A_834 : vector<16xf32>
        %get3A_836 = arith.index_cast %add3A_828 : i32 to index
        %get3A_837 = arith.constant 16 : index
        %get3A_838 = tpu.vector_load %arg9[%get3A_836, %get3A_837] {strides = array<i32>} : memref<256x128xf32, #tpu.memory_space<vmem>>, vector<16xf32>,
        %get3A_839 = arith.index_cast %add3A_828 : i32 to index
        %get3A_840 = arith.constant 16 : index
        %get3A_841 = tpu.vector_load %arg10[%get3A_839, %get3A_840] {strides = array<i32>} : memref<256x128xf32, #tpu.memory_space<vmem>>, vector<16xf32>,
        %mul3A_842 = arith.mulf %get3A_838, %get3A_841 : vector<16xf32>
        %add3A_843 = arith.addf %mul3A_835, %mul3A_842 : vector<16xf32>
        %get3A_844 = arith.index_cast %add3A_828 : i32 to index
        %get3A_845 = arith.constant 32 : index
        %get3A_846 = tpu.vector_load %arg9[%get3A_844, %get3A_845] {strides = array<i32>} : memref<256x128xf32, #tpu.memory_space<vmem>>, vector<16xf32>,
        %get3A_847 = arith.index_cast %add3A_828 : i32 to index
        %get3A_848 = arith.constant 32 : index
        %get3A_849 = tpu.vector_load %arg10[%get3A_847, %get3A_848] {strides = array<i32>} : memref<256x128xf32, #tpu.memory_space<vmem>>, vector<16xf32>,
        %mul3A_850 = arith.mulf %get3A_846, %get3A_849 : vector<16xf32>
        %add3A_851 = arith.addf %add3A_843, %mul3A_850 : vector<16xf32>
        %get3A_852 = arith.index_cast %add3A_828 : i32 to index
        %get3A_853 = arith.constant 48 : index
        %get3A_854 = tpu.vector_load %arg9[%get3A_852, %get3A_853] {strides = array<i32>} : memref<256x128xf32, #tpu.memory_space<vmem>>, vector<16xf32>,
        %get3A_855 = arith.index_cast %add3A_828 : i32 to index
        %get3A_856 = arith.constant 48 : index
        %get3A_857 = tpu.vector_load %arg10[%get3A_855, %get3A_856] {strides = array<i32>} : memref<256x128xf32, #tpu.memory_space<vmem>>, vector<16xf32>,
        %mul3A_858 = arith.mulf %get3A_854, %get3A_857 : vector<16xf32>
        %add3A_859 = arith.addf %add3A_851, %mul3A_858 : vector<16xf32>
        %get3A_860 = arith.index_cast %add3A_828 : i32 to index
        %get3A_861 = arith.constant 64 : index
        %get3A_862 = tpu.vector_load %arg9[%get3A_860, %get3A_861] {strides = array<i32>} : memref<256x128xf32, #tpu.memory_space<vmem>>, vector<16xf32>,
        %get3A_863 = arith.index_cast %add3A_828 : i32 to index
        %get3A_864 = arith.constant 64 : index
        %get3A_865 = tpu.vector_load %arg10[%get3A_863, %get3A_864] {strides = array<i32>} : memref<256x128xf32, #tpu.memory_space<vmem>>, vector<16xf32>,
        %mul3A_866 = arith.mulf %get3A_862, %get3A_865 : vector<16xf32>
        %add3A_867 = arith.addf %add3A_859, %mul3A_866 : vector<16xf32>
        %get3A_868 = arith.index_cast %add3A_828 : i32 to index
        %get3A_869 = arith.constant 80 : index
        %get3A_870 = tpu.vector_load %arg9[%get3A_868, %get3A_869] {strides = array<i32>} : memref<256x128xf32, #tpu.memory_space<vmem>>, vector<16xf32>,
        %get3A_871 = arith.index_cast %add3A_828 : i32 to index
        %get3A_872 = arith.constant 80 : index
        %get3A_873 = tpu.vector_load %arg10[%get3A_871, %get3A_872] {strides = array<i32>} : memref<256x128xf32, #tpu.memory_space<vmem>>, vector<16xf32>,
        %mul3A_874 = arith.mulf %get3A_870, %get3A_873 : vector<16xf32>
        %add3A_875 = arith.addf %add3A_867, %mul3A_874 : vector<16xf32>
        %get3A_876 = arith.index_cast %add3A_828 : i32 to index
        %get3A_877 = arith.constant 96 : index
        %get3A_878 = tpu.vector_load %arg9[%get3A_876, %get3A_877] {strides = array<i32>} : memref<256x128xf32, #tpu.memory_space<vmem>>, vector<16xf32>,
        %get3A_879 = arith.index_cast %add3A_828 : i32 to index
        %get3A_880 = arith.constant 96 : index
        %get3A_881 = tpu.vector_load %arg10[%get3A_879, %get3A_880] {strides = array<i32>} : memref<256x128xf32, #tpu.memory_space<vmem>>, vector<16xf32>,
        %mul3A_882 = arith.mulf %get3A_878, %get3A_881 : vector<16xf32>
        %add3A_883 = arith.addf %add3A_875, %mul3A_882 : vector<16xf32>
        %get3A_884 = arith.index_cast %add3A_828 : i32 to index
        %get3A_885 = arith.constant 112 : index
        %get3A_886 = tpu.vector_load %arg9[%get3A_884, %get3A_885] {strides = array<i32>} : memref<256x128xf32, #tpu.memory_space<vmem>>, vector<16xf32>,
        %get3A_887 = arith.index_cast %add3A_828 : i32 to index
        %get3A_888 = arith.constant 112 : index
        %get3A_889 = tpu.vector_load %arg10[%get3A_887, %get3A_888] {strides = array<i32>} : memref<256x128xf32, #tpu.memory_space<vmem>>, vector<16xf32>,
        %mul3A_890 = arith.mulf %get3A_886, %get3A_889 : vector<16xf32>
        %add3A_891 = arith.addf %add3A_883, %mul3A_890 : vector<16xf32>
        %swap3A_892 = arith.constant 187 : index
        %swap3A_893 = tpu.vector_load %arg12[%swap3A_892] {strides = array<i32>} : memref<272xf32, #tpu.memory_space<vmem>>, vector<16xf32>,
        tpu.vector_store %arg12[%swap3A_892], %add3A_891 {strides = array<i32>} : memref<272xf32, #tpu.memory_space<vmem>>, vector<16xf32>,
        %add3A_894 = arith.addi %mul3A_67, %mul3A_79 : i32
        %add3A_895 = arith.constant 12 : i32
        %add3A_896 = arith.addi %add3A_894, %add3A_895 : i32
        %get3A_897 = arith.index_cast %add3A_896 : i32 to index
        %get3A_898 = arith.constant 0 : index
        %get3A_899 = tpu.vector_load %arg9[%get3A_897, %get3A_898] {strides = array<i32>} : memref<256x128xf32, #tpu.memory_space<vmem>>, vector<16xf32>,
        %get3A_900 = arith.index_cast %add3A_896 : i32 to index
        %get3A_901 = arith.constant 0 : index
        %get3A_902 = tpu.vector_load %arg10[%get3A_900, %get3A_901] {strides = array<i32>} : memref<256x128xf32, #tpu.memory_space<vmem>>, vector<16xf32>,
        %mul3A_903 = arith.mulf %get3A_899, %get3A_902 : vector<16xf32>
        %get3A_904 = arith.index_cast %add3A_896 : i32 to index
        %get3A_905 = arith.constant 16 : index
        %get3A_906 = tpu.vector_load %arg9[%get3A_904, %get3A_905] {strides = array<i32>} : memref<256x128xf32, #tpu.memory_space<vmem>>, vector<16xf32>,
        %get3A_907 = arith.index_cast %add3A_896 : i32 to index
        %get3A_908 = arith.constant 16 : index
        %get3A_909 = tpu.vector_load %arg10[%get3A_907, %get3A_908] {strides = array<i32>} : memref<256x128xf32, #tpu.memory_space<vmem>>, vector<16xf32>,
        %mul3A_910 = arith.mulf %get3A_906, %get3A_909 : vector<16xf32>
        %add3A_911 = arith.addf %mul3A_903, %mul3A_910 : vector<16xf32>
        %get3A_912 = arith.index_cast %add3A_896 : i32 to index
        %get3A_913 = arith.constant 32 : index
        %get3A_914 = tpu.vector_load %arg9[%get3A_912, %get3A_913] {strides = array<i32>} : memref<256x128xf32, #tpu.memory_space<vmem>>, vector<16xf32>,
        %get3A_915 = arith.index_cast %add3A_896 : i32 to index
        %get3A_916 = arith.constant 32 : index
        %get3A_917 = tpu.vector_load %arg10[%get3A_915, %get3A_916] {strides = array<i32>} : memref<256x128xf32, #tpu.memory_space<vmem>>, vector<16xf32>,
        %mul3A_918 = arith.mulf %get3A_914, %get3A_917 : vector<16xf32>
        %add3A_919 = arith.addf %add3A_911, %mul3A_918 : vector<16xf32>
        %get3A_920 = arith.index_cast %add3A_896 : i32 to index
        %get3A_921 = arith.constant 48 : index
        %get3A_922 = tpu.vector_load %arg9[%get3A_920, %get3A_921] {strides = array<i32>} : memref<256x128xf32, #tpu.memory_space<vmem>>, vector<16xf32>,
        %get3A_923 = arith.index_cast %add3A_896 : i32 to index
        %get3A_924 = arith.constant 48 : index
        %get3A_925 = tpu.vector_load %arg10[%get3A_923, %get3A_924] {strides = array<i32>} : memref<256x128xf32, #tpu.memory_space<vmem>>, vector<16xf32>,
        %mul3A_926 = arith.mulf %get3A_922, %get3A_925 : vector<16xf32>
        %add3A_927 = arith.addf %add3A_919, %mul3A_926 : vector<16xf32>
        %get3A_928 = arith.index_cast %add3A_896 : i32 to index
        %get3A_929 = arith.constant 64 : index
        %get3A_930 = tpu.vector_load %arg9[%get3A_928, %get3A_929] {strides = array<i32>} : memref<256x128xf32, #tpu.memory_space<vmem>>, vector<16xf32>,
        %get3A_931 = arith.index_cast %add3A_896 : i32 to index
        %get3A_932 = arith.constant 64 : index
        %get3A_933 = tpu.vector_load %arg10[%get3A_931, %get3A_932] {strides = array<i32>} : memref<256x128xf32, #tpu.memory_space<vmem>>, vector<16xf32>,
        %mul3A_934 = arith.mulf %get3A_930, %get3A_933 : vector<16xf32>
        %add3A_935 = arith.addf %add3A_927, %mul3A_934 : vector<16xf32>
        %get3A_936 = arith.index_cast %add3A_896 : i32 to index
        %get3A_937 = arith.constant 80 : index
        %get3A_938 = tpu.vector_load %arg9[%get3A_936, %get3A_937] {strides = array<i32>} : memref<256x128xf32, #tpu.memory_space<vmem>>, vector<16xf32>,
        %get3A_939 = arith.index_cast %add3A_896 : i32 to index
        %get3A_940 = arith.constant 80 : index
        %get3A_941 = tpu.vector_load %arg10[%get3A_939, %get3A_940] {strides = array<i32>} : memref<256x128xf32, #tpu.memory_space<vmem>>, vector<16xf32>,
        %mul3A_942 = arith.mulf %get3A_938, %get3A_941 : vector<16xf32>
        %add3A_943 = arith.addf %add3A_935, %mul3A_942 : vector<16xf32>
        %get3A_944 = arith.index_cast %add3A_896 : i32 to index
        %get3A_945 = arith.constant 96 : index
        %get3A_946 = tpu.vector_load %arg9[%get3A_944, %get3A_945] {strides = array<i32>} : memref<256x128xf32, #tpu.memory_space<vmem>>, vector<16xf32>,
        %get3A_947 = arith.index_cast %add3A_896 : i32 to index
        %get3A_948 = arith.constant 96 : index
        %get3A_949 = tpu.vector_load %arg10[%get3A_947, %get3A_948] {strides = array<i32>} : memref<256x128xf32, #tpu.memory_space<vmem>>, vector<16xf32>,
        %mul3A_950 = arith.mulf %get3A_946, %get3A_949 : vector<16xf32>
        %add3A_951 = arith.addf %add3A_943, %mul3A_950 : vector<16xf32>
        %get3A_952 = arith.index_cast %add3A_896 : i32 to index
        %get3A_953 = arith.constant 112 : index
        %get3A_954 = tpu.vector_load %arg9[%get3A_952, %get3A_953] {strides = array<i32>} : memref<256x128xf32, #tpu.memory_space<vmem>>, vector<16xf32>,
        %get3A_955 = arith.index_cast %add3A_896 : i32 to index
        %get3A_956 = arith.constant 112 : index
        %get3A_957 = tpu.vector_load %arg10[%get3A_955, %get3A_956] {strides = array<i32>} : memref<256x128xf32, #tpu.memory_space<vmem>>, vector<16xf32>,
        %mul3A_958 = arith.mulf %get3A_954, %get3A_957 : vector<16xf32>
        %add3A_959 = arith.addf %add3A_951, %mul3A_958 : vector<16xf32>
        %swap3A_960 = arith.constant 204 : index
        %swap3A_961 = tpu.vector_load %arg12[%swap3A_960] {strides = array<i32>} : memref<272xf32, #tpu.memory_space<vmem>>, vector<16xf32>,
        tpu.vector_store %arg12[%swap3A_960], %add3A_959 {strides = array<i32>} : memref<272xf32, #tpu.memory_space<vmem>>, vector<16xf32>,
        %add3A_962 = arith.addi %mul3A_67, %mul3A_79 : i32
        %add3A_963 = arith.constant 13 : i32
        %add3A_964 = arith.addi %add3A_962, %add3A_963 : i32
        %get3A_965 = arith.index_cast %add3A_964 : i32 to index
        %get3A_966 = arith.constant 0 : index
        %get3A_967 = tpu.vector_load %arg9[%get3A_965, %get3A_966] {strides = array<i32>} : memref<256x128xf32, #tpu.memory_space<vmem>>, vector<16xf32>,
        %get3A_968 = arith.index_cast %add3A_964 : i32 to index
        %get3A_969 = arith.constant 0 : index
        %get3A_970 = tpu.vector_load %arg10[%get3A_968, %get3A_969] {strides = array<i32>} : memref<256x128xf32, #tpu.memory_space<vmem>>, vector<16xf32>,
        %mul3A_971 = arith.mulf %get3A_967, %get3A_970 : vector<16xf32>
        %get3A_972 = arith.index_cast %add3A_964 : i32 to index
        %get3A_973 = arith.constant 16 : index
        %get3A_974 = tpu.vector_load %arg9[%get3A_972, %get3A_973] {strides = array<i32>} : memref<256x128xf32, #tpu.memory_space<vmem>>, vector<16xf32>,
        %get3A_975 = arith.index_cast %add3A_964 : i32 to index
        %get3A_976 = arith.constant 16 : index
        %get3A_977 = tpu.vector_load %arg10[%get3A_975, %get3A_976] {strides = array<i32>} : memref<256x128xf32, #tpu.memory_space<vmem>>, vector<16xf32>,
        %mul3A_978 = arith.mulf %get3A_974, %get3A_977 : vector<16xf32>
        %add3A_979 = arith.addf %mul3A_971, %mul3A_978 : vector<16xf32>
        %get3A_980 = arith.index_cast %add3A_964 : i32 to index
        %get3A_981 = arith.constant 32 : index
        %get3A_982 = tpu.vector_load %arg9[%get3A_980, %get3A_981] {strides = array<i32>} : memref<256x128xf32, #tpu.memory_space<vmem>>, vector<16xf32>,
        %get3A_983 = arith.index_cast %add3A_964 : i32 to index
        %get3A_984 = arith.constant 32 : index
        %get3A_985 = tpu.vector_load %arg10[%get3A_983, %get3A_984] {strides = array<i32>} : memref<256x128xf32, #tpu.memory_space<vmem>>, vector<16xf32>,
        %mul3A_986 = arith.mulf %get3A_982, %get3A_985 : vector<16xf32>
        %add3A_987 = arith.addf %add3A_979, %mul3A_986 : vector<16xf32>
        %get3A_988 = arith.index_cast %add3A_964 : i32 to index
        %get3A_989 = arith.constant 48 : index
        %get3A_990 = tpu.vector_load %arg9[%get3A_988, %get3A_989] {strides = array<i32>} : memref<256x128xf32, #tpu.memory_space<vmem>>, vector<16xf32>,
        %get3A_991 = arith.index_cast %add3A_964 : i32 to index
        %get3A_992 = arith.constant 48 : index
        %get3A_993 = tpu.vector_load %arg10[%get3A_991, %get3A_992] {strides = array<i32>} : memref<256x128xf32, #tpu.memory_space<vmem>>, vector<16xf32>,
        %mul3A_994 = arith.mulf %get3A_990, %get3A_993 : vector<16xf32>
        %add3A_995 = arith.addf %add3A_987, %mul3A_994 : vector<16xf32>
        %get3A_996 = arith.index_cast %add3A_964 : i32 to index
        %get3A_997 = arith.constant 64 : index
        %get3A_998 = tpu.vector_load %arg9[%get3A_996, %get3A_997] {strides = array<i32>} : memref<256x128xf32, #tpu.memory_space<vmem>>, vector<16xf32>,
        %get3A_999 = arith.index_cast %add3A_964 : i32 to index
        %get3A_1000 = arith.constant 64 : index
        %get3A_1001 = tpu.vector_load %arg10[%get3A_999, %get3A_1000] {strides = array<i32>} : memref<256x128xf32, #tpu.memory_space<vmem>>, vector<16xf32>,
        %mul3A_1002 = arith.mulf %get3A_998, %get3A_1001 : vector<16xf32>
        %add3A_1003 = arith.addf %add3A_995, %mul3A_1002 : vector<16xf32>
        %get3A_1004 = arith.index_cast %add3A_964 : i32 to index
        %get3A_1005 = arith.constant 80 : index
        %get3A_1006 = tpu.vector_load %arg9[%get3A_1004, %get3A_1005] {strides = array<i32>} : memref<256x128xf32, #tpu.memory_space<vmem>>, vector<16xf32>,
        %get3A_1007 = arith.index_cast %add3A_964 : i32 to index
        %get3A_1008 = arith.constant 80 : index
        %get3A_1009 = tpu.vector_load %arg10[%get3A_1007, %get3A_1008] {strides = array<i32>} : memref<256x128xf32, #tpu.memory_space<vmem>>, vector<16xf32>,
        %mul3A_1010 = arith.mulf %get3A_1006, %get3A_1009 : vector<16xf32>
        %add3A_1011 = arith.addf %add3A_1003, %mul3A_1010 : vector<16xf32>
        %get3A_1012 = arith.index_cast %add3A_964 : i32 to index
        %get3A_1013 = arith.constant 96 : index
        %get3A_1014 = tpu.vector_load %arg9[%get3A_1012, %get3A_1013] {strides = array<i32>} : memref<256x128xf32, #tpu.memory_space<vmem>>, vector<16xf32>,
        %get3A_1015 = arith.index_cast %add3A_964 : i32 to index
        %get3A_1016 = arith.constant 96 : index
        %get3A_1017 = tpu.vector_load %arg10[%get3A_1015, %get3A_1016] {strides = array<i32>} : memref<256x128xf32, #tpu.memory_space<vmem>>, vector<16xf32>,
        %mul3A_1018 = arith.mulf %get3A_1014, %get3A_1017 : vector<16xf32>
        %add3A_1019 = arith.addf %add3A_1011, %mul3A_1018 : vector<16xf32>
        %get3A_1020 = arith.index_cast %add3A_964 : i32 to index
        %get3A_1021 = arith.constant 112 : index
        %get3A_1022 = tpu.vector_load %arg9[%get3A_1020, %get3A_1021] {strides = array<i32>} : memref<256x128xf32, #tpu.memory_space<vmem>>, vector<16xf32>,
        %get3A_1023 = arith.index_cast %add3A_964 : i32 to index
        %get3A_1024 = arith.constant 112 : index
        %get3A_1025 = tpu.vector_load %arg10[%get3A_1023, %get3A_1024] {strides = array<i32>} : memref<256x128xf32, #tpu.memory_space<vmem>>, vector<16xf32>,
        %mul3A_1026 = arith.mulf %get3A_1022, %get3A_1025 : vector<16xf32>
        %add3A_1027 = arith.addf %add3A_1019, %mul3A_1026 : vector<16xf32>
        %swap3A_1028 = arith.constant 221 : index
        %swap3A_1029 = tpu.vector_load %arg12[%swap3A_1028] {strides = array<i32>} : memref<272xf32, #tpu.memory_space<vmem>>, vector<16xf32>,
        tpu.vector_store %arg12[%swap3A_1028], %add3A_1027 {strides = array<i32>} : memref<272xf32, #tpu.memory_space<vmem>>, vector<16xf32>,
        %add3A_1030 = arith.addi %mul3A_67, %mul3A_79 : i32
        %add3A_1031 = arith.constant 14 : i32
        %add3A_1032 = arith.addi %add3A_1030, %add3A_1031 : i32
        %get3A_1033 = arith.index_cast %add3A_1032 : i32 to index
        %get3A_1034 = arith.constant 0 : index
        %get3A_1035 = tpu.vector_load %arg9[%get3A_1033, %get3A_1034] {strides = array<i32>} : memref<256x128xf32, #tpu.memory_space<vmem>>, vector<16xf32>,
        %get3A_1036 = arith.index_cast %add3A_1032 : i32 to index
        %get3A_1037 = arith.constant 0 : index
        %get3A_1038 = tpu.vector_load %arg10[%get3A_1036, %get3A_1037] {strides = array<i32>} : memref<256x128xf32, #tpu.memory_space<vmem>>, vector<16xf32>,
        %mul3A_1039 = arith.mulf %get3A_1035, %get3A_1038 : vector<16xf32>
        %get3A_1040 = arith.index_cast %add3A_1032 : i32 to index
        %get3A_1041 = arith.constant 16 : index
        %get3A_1042 = tpu.vector_load %arg9[%get3A_1040, %get3A_1041] {strides = array<i32>} : memref<256x128xf32, #tpu.memory_space<vmem>>, vector<16xf32>,
        %get3A_1043 = arith.index_cast %add3A_1032 : i32 to index
        %get3A_1044 = arith.constant 16 : index
        %get3A_1045 = tpu.vector_load %arg10[%get3A_1043, %get3A_1044] {strides = array<i32>} : memref<256x128xf32, #tpu.memory_space<vmem>>, vector<16xf32>,
        %mul3A_1046 = arith.mulf %get3A_1042, %get3A_1045 : vector<16xf32>
        %add3A_1047 = arith.addf %mul3A_1039, %mul3A_1046 : vector<16xf32>
        %get3A_1048 = arith.index_cast %add3A_1032 : i32 to index
        %get3A_1049 = arith.constant 32 : index
        %get3A_1050 = tpu.vector_load %arg9[%get3A_1048, %get3A_1049] {strides = array<i32>} : memref<256x128xf32, #tpu.memory_space<vmem>>, vector<16xf32>,
        %get3A_1051 = arith.index_cast %add3A_1032 : i32 to index
        %get3A_1052 = arith.constant 32 : index
        %get3A_1053 = tpu.vector_load %arg10[%get3A_1051, %get3A_1052] {strides = array<i32>} : memref<256x128xf32, #tpu.memory_space<vmem>>, vector<16xf32>,
        %mul3A_1054 = arith.mulf %get3A_1050, %get3A_1053 : vector<16xf32>
        %add3A_1055 = arith.addf %add3A_1047, %mul3A_1054 : vector<16xf32>
        %get3A_1056 = arith.index_cast %add3A_1032 : i32 to index
        %get3A_1057 = arith.constant 48 : index
        %get3A_1058 = tpu.vector_load %arg9[%get3A_1056, %get3A_1057] {strides = array<i32>} : memref<256x128xf32, #tpu.memory_space<vmem>>, vector<16xf32>,
        %get3A_1059 = arith.index_cast %add3A_1032 : i32 to index
        %get3A_1060 = arith.constant 48 : index
        %get3A_1061 = tpu.vector_load %arg10[%get3A_1059, %get3A_1060] {strides = array<i32>} : memref<256x128xf32, #tpu.memory_space<vmem>>, vector<16xf32>,
        %mul3A_1062 = arith.mulf %get3A_1058, %get3A_1061 : vector<16xf32>
        %add3A_1063 = arith.addf %add3A_1055, %mul3A_1062 : vector<16xf32>
        %get3A_1064 = arith.index_cast %add3A_1032 : i32 to index
        %get3A_1065 = arith.constant 64 : index
        %get3A_1066 = tpu.vector_load %arg9[%get3A_1064, %get3A_1065] {strides = array<i32>} : memref<256x128xf32, #tpu.memory_space<vmem>>, vector<16xf32>,
        %get3A_1067 = arith.index_cast %add3A_1032 : i32 to index
        %get3A_1068 = arith.constant 64 : index
        %get3A_1069 = tpu.vector_load %arg10[%get3A_1067, %get3A_1068] {strides = array<i32>} : memref<256x128xf32, #tpu.memory_space<vmem>>, vector<16xf32>,
        %mul3A_1070 = arith.mulf %get3A_1066, %get3A_1069 : vector<16xf32>
        %add3A_1071 = arith.addf %add3A_1063, %mul3A_1070 : vector<16xf32>
        %get3A_1072 = arith.index_cast %add3A_1032 : i32 to index
        %get3A_1073 = arith.constant 80 : index
        %get3A_1074 = tpu.vector_load %arg9[%get3A_1072, %get3A_1073] {strides = array<i32>} : memref<256x128xf32, #tpu.memory_space<vmem>>, vector<16xf32>,
        %get3A_1075 = arith.index_cast %add3A_1032 : i32 to index
        %get3A_1076 = arith.constant 80 : index
        %get3A_1077 = tpu.vector_load %arg10[%get3A_1075, %get3A_1076] {strides = array<i32>} : memref<256x128xf32, #tpu.memory_space<vmem>>, vector<16xf32>,
        %mul3A_1078 = arith.mulf %get3A_1074, %get3A_1077 : vector<16xf32>
        %add3A_1079 = arith.addf %add3A_1071, %mul3A_1078 : vector<16xf32>
        %get3A_1080 = arith.index_cast %add3A_1032 : i32 to index
        %get3A_1081 = arith.constant 96 : index
        %get3A_1082 = tpu.vector_load %arg9[%get3A_1080, %get3A_1081] {strides = array<i32>} : memref<256x128xf32, #tpu.memory_space<vmem>>, vector<16xf32>,
        %get3A_1083 = arith.index_cast %add3A_1032 : i32 to index
        %get3A_1084 = arith.constant 96 : index
        %get3A_1085 = tpu.vector_load %arg10[%get3A_1083, %get3A_1084] {strides = array<i32>} : memref<256x128xf32, #tpu.memory_space<vmem>>, vector<16xf32>,
        %mul3A_1086 = arith.mulf %get3A_1082, %get3A_1085 : vector<16xf32>
        %add3A_1087 = arith.addf %add3A_1079, %mul3A_1086 : vector<16xf32>
        %get3A_1088 = arith.index_cast %add3A_1032 : i32 to index
        %get3A_1089 = arith.constant 112 : index
        %get3A_1090 = tpu.vector_load %arg9[%get3A_1088, %get3A_1089] {strides = array<i32>} : memref<256x128xf32, #tpu.memory_space<vmem>>, vector<16xf32>,
        %get3A_1091 = arith.index_cast %add3A_1032 : i32 to index
        %get3A_1092 = arith.constant 112 : index
        %get3A_1093 = tpu.vector_load %arg10[%get3A_1091, %get3A_1092] {strides = array<i32>} : memref<256x128xf32, #tpu.memory_space<vmem>>, vector<16xf32>,
        %mul3A_1094 = arith.mulf %get3A_1090, %get3A_1093 : vector<16xf32>
        %add3A_1095 = arith.addf %add3A_1087, %mul3A_1094 : vector<16xf32>
        %swap3A_1096 = arith.constant 238 : index
        %swap3A_1097 = tpu.vector_load %arg12[%swap3A_1096] {strides = array<i32>} : memref<272xf32, #tpu.memory_space<vmem>>, vector<16xf32>,
        tpu.vector_store %arg12[%swap3A_1096], %add3A_1095 {strides = array<i32>} : memref<272xf32, #tpu.memory_space<vmem>>, vector<16xf32>,
        %add3A_1098 = arith.addi %mul3A_67, %mul3A_79 : i32
        %add3A_1099 = arith.constant 15 : i32
        %add3A_1100 = arith.addi %add3A_1098, %add3A_1099 : i32
        %get3A_1101 = arith.index_cast %add3A_1100 : i32 to index
        %get3A_1102 = arith.constant 0 : index
        %get3A_1103 = tpu.vector_load %arg9[%get3A_1101, %get3A_1102] {strides = array<i32>} : memref<256x128xf32, #tpu.memory_space<vmem>>, vector<16xf32>,
        %get3A_1104 = arith.index_cast %add3A_1100 : i32 to index
        %get3A_1105 = arith.constant 0 : index
        %get3A_1106 = tpu.vector_load %arg10[%get3A_1104, %get3A_1105] {strides = array<i32>} : memref<256x128xf32, #tpu.memory_space<vmem>>, vector<16xf32>,
        %mul3A_1107 = arith.mulf %get3A_1103, %get3A_1106 : vector<16xf32>
        %get3A_1108 = arith.index_cast %add3A_1100 : i32 to index
        %get3A_1109 = arith.constant 16 : index
        %get3A_1110 = tpu.vector_load %arg9[%get3A_1108, %get3A_1109] {strides = array<i32>} : memref<256x128xf32, #tpu.memory_space<vmem>>, vector<16xf32>,
        %get3A_1111 = arith.index_cast %add3A_1100 : i32 to index
        %get3A_1112 = arith.constant 16 : index
        %get3A_1113 = tpu.vector_load %arg10[%get3A_1111, %get3A_1112] {strides = array<i32>} : memref<256x128xf32, #tpu.memory_space<vmem>>, vector<16xf32>,
        %mul3A_1114 = arith.mulf %get3A_1110, %get3A_1113 : vector<16xf32>
        %add3A_1115 = arith.addf %mul3A_1107, %mul3A_1114 : vector<16xf32>
        %get3A_1116 = arith.index_cast %add3A_1100 : i32 to index
        %get3A_1117 = arith.constant 32 : index
        %get3A_1118 = tpu.vector_load %arg9[%get3A_1116, %get3A_1117] {strides = array<i32>} : memref<256x128xf32, #tpu.memory_space<vmem>>, vector<16xf32>,
        %get3A_1119 = arith.index_cast %add3A_1100 : i32 to index
        %get3A_1120 = arith.constant 32 : index
        %get3A_1121 = tpu.vector_load %arg10[%get3A_1119, %get3A_1120] {strides = array<i32>} : memref<256x128xf32, #tpu.memory_space<vmem>>, vector<16xf32>,
        %mul3A_1122 = arith.mulf %get3A_1118, %get3A_1121 : vector<16xf32>
        %add3A_1123 = arith.addf %add3A_1115, %mul3A_1122 : vector<16xf32>
        %get3A_1124 = arith.index_cast %add3A_1100 : i32 to index
        %get3A_1125 = arith.constant 48 : index
        %get3A_1126 = tpu.vector_load %arg9[%get3A_1124, %get3A_1125] {strides = array<i32>} : memref<256x128xf32, #tpu.memory_space<vmem>>, vector<16xf32>,
        %get3A_1127 = arith.index_cast %add3A_1100 : i32 to index
        %get3A_1128 = arith.constant 48 : index
        %get3A_1129 = tpu.vector_load %arg10[%get3A_1127, %get3A_1128] {strides = array<i32>} : memref<256x128xf32, #tpu.memory_space<vmem>>, vector<16xf32>,
        %mul3A_1130 = arith.mulf %get3A_1126, %get3A_1129 : vector<16xf32>
        %add3A_1131 = arith.addf %add3A_1123, %mul3A_1130 : vector<16xf32>
        %get3A_1132 = arith.index_cast %add3A_1100 : i32 to index
        %get3A_1133 = arith.constant 64 : index
        %get3A_1134 = tpu.vector_load %arg9[%get3A_1132, %get3A_1133] {strides = array<i32>} : memref<256x128xf32, #tpu.memory_space<vmem>>, vector<16xf32>,
        %get3A_1135 = arith.index_cast %add3A_1100 : i32 to index
        %get3A_1136 = arith.constant 64 : index
        %get3A_1137 = tpu.vector_load %arg10[%get3A_1135, %get3A_1136] {strides = array<i32>} : memref<256x128xf32, #tpu.memory_space<vmem>>, vector<16xf32>,
        %mul3A_1138 = arith.mulf %get3A_1134, %get3A_1137 : vector<16xf32>
        %add3A_1139 = arith.addf %add3A_1131, %mul3A_1138 : vector<16xf32>
        %get3A_1140 = arith.index_cast %add3A_1100 : i32 to index
        %get3A_1141 = arith.constant 80 : index
        %get3A_1142 = tpu.vector_load %arg9[%get3A_1140, %get3A_1141] {strides = array<i32>} : memref<256x128xf32, #tpu.memory_space<vmem>>, vector<16xf32>,
        %get3A_1143 = arith.index_cast %add3A_1100 : i32 to index
        %get3A_1144 = arith.constant 80 : index
        %get3A_1145 = tpu.vector_load %arg10[%get3A_1143, %get3A_1144] {strides = array<i32>} : memref<256x128xf32, #tpu.memory_space<vmem>>, vector<16xf32>,
        %mul3A_1146 = arith.mulf %get3A_1142, %get3A_1145 : vector<16xf32>
        %add3A_1147 = arith.addf %add3A_1139, %mul3A_1146 : vector<16xf32>
        %get3A_1148 = arith.index_cast %add3A_1100 : i32 to index
        %get3A_1149 = arith.constant 96 : index
        %get3A_1150 = tpu.vector_load %arg9[%get3A_1148, %get3A_1149] {strides = array<i32>} : memref<256x128xf32, #tpu.memory_space<vmem>>, vector<16xf32>,
        %get3A_1151 = arith.index_cast %add3A_1100 : i32 to index
        %get3A_1152 = arith.constant 96 : index
        %get3A_1153 = tpu.vector_load %arg10[%get3A_1151, %get3A_1152] {strides = array<i32>} : memref<256x128xf32, #tpu.memory_space<vmem>>, vector<16xf32>,
        %mul3A_1154 = arith.mulf %get3A_1150, %get3A_1153 : vector<16xf32>
        %add3A_1155 = arith.addf %add3A_1147, %mul3A_1154 : vector<16xf32>
        %get3A_1156 = arith.index_cast %add3A_1100 : i32 to index
        %get3A_1157 = arith.constant 112 : index
        %get3A_1158 = tpu.vector_load %arg9[%get3A_1156, %get3A_1157] {strides = array<i32>} : memref<256x128xf32, #tpu.memory_space<vmem>>, vector<16xf32>,
        %get3A_1159 = arith.index_cast %add3A_1100 : i32 to index
        %get3A_1160 = arith.constant 112 : index
        %get3A_1161 = tpu.vector_load %arg10[%get3A_1159, %get3A_1160] {strides = array<i32>} : memref<256x128xf32, #tpu.memory_space<vmem>>, vector<16xf32>,
        %mul3A_1162 = arith.mulf %get3A_1158, %get3A_1161 : vector<16xf32>
        %add3A_1163 = arith.addf %add3A_1155, %mul3A_1162 : vector<16xf32>
        %swap3A_1164 = arith.constant 255 : index
        %swap3A_1165 = tpu.vector_load %arg12[%swap3A_1164] {strides = array<i32>} : memref<272xf32, #tpu.memory_space<vmem>>, vector<16xf32>,
        tpu.vector_store %arg12[%swap3A_1164], %add3A_1163 {strides = array<i32>} : memref<272xf32, #tpu.memory_space<vmem>>, vector<16xf32>,
        %mul3A_1166 = arith.constant 17 : i32
        %mul3A_1167 = vector.broadcast %mul3A_1166 : i32 to vector<16xi32>
        %mul3A_1168 = arith.muli %iota3A, %mul3A_1167 : vector<16xi32>
        %gather3A = tpu.vector_load_idx %arg12[%mul3A_1168] : memref<272xf32, #tpu.memory_space<vmem>>[vector<16xi32>], vector<16xf32>,
        %add3A_1169 = arith.constant 1 : i32
        %add3A_1170 = vector.broadcast %add3A_1169 : i32 to vector<16xi32>
        %add3A_1171 = arith.addi %mul3A_1168, %add3A_1170 : vector<16xi32>
        %gather3A_1172 = tpu.vector_load_idx %arg12[%add3A_1171] : memref<272xf32, #tpu.memory_space<vmem>>[vector<16xi32>], vector<16xf32>,
        %add3A_1173 = arith.addf %gather3A, %gather3A_1172 : vector<16xf32>
        %add3A_1174 = arith.constant 2 : i32
        %add3A_1175 = vector.broadcast %add3A_1174 : i32 to vector<16xi32>
        %add3A_1176 = arith.addi %mul3A_1168, %add3A_1175 : vector<16xi32>
        %gather3A_1177 = tpu.vector_load_idx %arg12[%add3A_1176] : memref<272xf32, #tpu.memory_space<vmem>>[vector<16xi32>], vector<16xf32>,
        %add3A_1178 = arith.addf %add3A_1173, %gather3A_1177 : vector<16xf32>
        %add3A_1179 = arith.constant 3 : i32
        %add3A_1180 = vector.broadcast %add3A_1179 : i32 to vector<16xi32>
        %add3A_1181 = arith.addi %mul3A_1168, %add3A_1180 : vector<16xi32>
        %gather3A_1182 = tpu.vector_load_idx %arg12[%add3A_1181] : memref<272xf32, #tpu.memory_space<vmem>>[vector<16xi32>], vector<16xf32>,
        %add3A_1183 = arith.addf %add3A_1178, %gather3A_1182 : vector<16xf32>
        %add3A_1184 = arith.constant 4 : i32
        %add3A_1185 = vector.broadcast %add3A_1184 : i32 to vector<16xi32>
        %add3A_1186 = arith.addi %mul3A_1168, %add3A_1185 : vector<16xi32>
        %gather3A_1187 = tpu.vector_load_idx %arg12[%add3A_1186] : memref<272xf32, #tpu.memory_space<vmem>>[vector<16xi32>], vector<16xf32>,
        %add3A_1188 = arith.addf %add3A_1183, %gather3A_1187 : vector<16xf32>
        %add3A_1189 = arith.constant 5 : i32
        %add3A_1190 = vector.broadcast %add3A_1189 : i32 to vector<16xi32>
        %add3A_1191 = arith.addi %mul3A_1168, %add3A_1190 : vector<16xi32>
        %gather3A_1192 = tpu.vector_load_idx %arg12[%add3A_1191] : memref<272xf32, #tpu.memory_space<vmem>>[vector<16xi32>], vector<16xf32>,
        %add3A_1193 = arith.addf %add3A_1188, %gather3A_1192 : vector<16xf32>
        %add3A_1194 = arith.constant 6 : i32
        %add3A_1195 = vector.broadcast %add3A_1194 : i32 to vector<16xi32>
        %add3A_1196 = arith.addi %mul3A_1168, %add3A_1195 : vector<16xi32>
        %gather3A_1197 = tpu.vector_load_idx %arg12[%add3A_1196] : memref<272xf32, #tpu.memory_space<vmem>>[vector<16xi32>], vector<16xf32>,
        %add3A_1198 = arith.addf %add3A_1193, %gather3A_1197 : vector<16xf32>
        %add3A_1199 = arith.constant 7 : i32
        %add3A_1200 = vector.broadcast %add3A_1199 : i32 to vector<16xi32>
        %add3A_1201 = arith.addi %mul3A_1168, %add3A_1200 : vector<16xi32>
        %gather3A_1202 = tpu.vector_load_idx %arg12[%add3A_1201] : memref<272xf32, #tpu.memory_space<vmem>>[vector<16xi32>], vector<16xf32>,
        %add3A_1203 = arith.addf %add3A_1198, %gather3A_1202 : vector<16xf32>
        %add3A_1204 = arith.constant 8 : i32
        %add3A_1205 = vector.broadcast %add3A_1204 : i32 to vector<16xi32>
        %add3A_1206 = arith.addi %mul3A_1168, %add3A_1205 : vector<16xi32>
        %gather3A_1207 = tpu.vector_load_idx %arg12[%add3A_1206] : memref<272xf32, #tpu.memory_space<vmem>>[vector<16xi32>], vector<16xf32>,
        %add3A_1208 = arith.addf %add3A_1203, %gather3A_1207 : vector<16xf32>
        %add3A_1209 = arith.constant 9 : i32
        %add3A_1210 = vector.broadcast %add3A_1209 : i32 to vector<16xi32>
        %add3A_1211 = arith.addi %mul3A_1168, %add3A_1210 : vector<16xi32>
        %gather3A_1212 = tpu.vector_load_idx %arg12[%add3A_1211] : memref<272xf32, #tpu.memory_space<vmem>>[vector<16xi32>], vector<16xf32>,
        %add3A_1213 = arith.addf %add3A_1208, %gather3A_1212 : vector<16xf32>
        %add3A_1214 = arith.constant 10 : i32
        %add3A_1215 = vector.broadcast %add3A_1214 : i32 to vector<16xi32>
        %add3A_1216 = arith.addi %mul3A_1168, %add3A_1215 : vector<16xi32>
        %gather3A_1217 = tpu.vector_load_idx %arg12[%add3A_1216] : memref<272xf32, #tpu.memory_space<vmem>>[vector<16xi32>], vector<16xf32>,
        %add3A_1218 = arith.addf %add3A_1213, %gather3A_1217 : vector<16xf32>
        %add3A_1219 = arith.constant 11 : i32
        %add3A_1220 = vector.broadcast %add3A_1219 : i32 to vector<16xi32>
        %add3A_1221 = arith.addi %mul3A_1168, %add3A_1220 : vector<16xi32>
        %gather3A_1222 = tpu.vector_load_idx %arg12[%add3A_1221] : memref<272xf32, #tpu.memory_space<vmem>>[vector<16xi32>], vector<16xf32>,
        %add3A_1223 = arith.addf %add3A_1218, %gather3A_1222 : vector<16xf32>
        %add3A_1224 = arith.constant 12 : i32
        %add3A_1225 = vector.broadcast %add3A_1224 : i32 to vector<16xi32>
        %add3A_1226 = arith.addi %mul3A_1168, %add3A_1225 : vector<16xi32>
        %gather3A_1227 = tpu.vector_load_idx %arg12[%add3A_1226] : memref<272xf32, #tpu.memory_space<vmem>>[vector<16xi32>], vector<16xf32>,
        %add3A_1228 = arith.addf %add3A_1223, %gather3A_1227 : vector<16xf32>
        %add3A_1229 = arith.constant 13 : i32
        %add3A_1230 = vector.broadcast %add3A_1229 : i32 to vector<16xi32>
        %add3A_1231 = arith.addi %mul3A_1168, %add3A_1230 : vector<16xi32>
        %gather3A_1232 = tpu.vector_load_idx %arg12[%add3A_1231] : memref<272xf32, #tpu.memory_space<vmem>>[vector<16xi32>], vector<16xf32>,
        %add3A_1233 = arith.addf %add3A_1228, %gather3A_1232 : vector<16xf32>
        %add3A_1234 = arith.constant 14 : i32
        %add3A_1235 = vector.broadcast %add3A_1234 : i32 to vector<16xi32>
        %add3A_1236 = arith.addi %mul3A_1168, %add3A_1235 : vector<16xi32>
        %gather3A_1237 = tpu.vector_load_idx %arg12[%add3A_1236] : memref<272xf32, #tpu.memory_space<vmem>>[vector<16xi32>], vector<16xf32>,
        %add3A_1238 = arith.addf %add3A_1233, %gather3A_1237 : vector<16xf32>
        %add3A_1239 = arith.constant 15 : i32
        %add3A_1240 = vector.broadcast %add3A_1239 : i32 to vector<16xi32>
        %add3A_1241 = arith.addi %mul3A_1168, %add3A_1240 : vector<16xi32>
        %gather3A_1242 = tpu.vector_load_idx %arg12[%add3A_1241] : memref<272xf32, #tpu.memory_space<vmem>>[vector<16xi32>], vector<16xf32>,
        %add3A_1243 = arith.addf %add3A_1238, %gather3A_1242 : vector<16xf32>
        %mul3A_1244 = arith.constant 128 : i32
        %mul3A_1245 = arith.muli %scan3A_37, %mul3A_1244 : i32
        %add3A_1246 = arith.addi %mul3A_1245, %mul3A_79 : i32
        %swap3A_1247 = arith.index_cast %add3A_1246 : i32 to index
        %swap3A_1248 = tpu.vector_load %arg11[%swap3A_1247] {strides = array<i32>} : memref<512xf32, #tpu.memory_space<vmem>>, vector<16xf32>,
        tpu.vector_store %arg11[%swap3A_1247], %add3A_1243 {strides = array<i32>} : memref<512xf32, #tpu.memory_space<vmem>>, vector<16xf32>,
        %scan3A_1249 = arith.constant 0 : i32
        scf.yield %scan3A_1249 : i32
      }
      %scan3A_74 = arith.constant 8 : i32
      %scan3A_75 = arith.constant 0 : i32
      scf.yield %scan3A_75 : i32
    }
    %scan3A_36 = arith.constant 4 : i32
    "tpu.region"() ({
      %run_scoped3A = tpu.sem_alloc : memref<!tpu.dma_semaphore, #tpu.memory_space<semaphore_mem>>
      %dma_start3A_37 = tpu.memref_slice %arg6[%multiple_of3A] : memref<16384xf32, #tpu.memory_space<hbm>> -> memref<512xf32, #tpu.memory_space<hbm>>
      %dma_start3A_38 = tpu.memref_slice %arg6[%multiple_of3A] : memref<16384xf32, #tpu.memory_space<hbm>> -> memref<512xf32, #tpu.memory_space<hbm>>
      tpu.enqueue_dma source(%arg11 : memref<512xf32, #tpu.memory_space<vmem>>) target(%dma_start3A_38 : memref<512xf32, #tpu.memory_space<hbm>>) target_semaphore(%run_scoped3A : memref<!tpu.dma_semaphore, #tpu.memory_space<semaphore_mem>>)
      %dma_wait3A_39 = tpu.memref_slice %arg6[%multiple_of3A] : memref<16384xf32, #tpu.memory_space<hbm>> -> memref<512xf32, #tpu.memory_space<hbm>>
      %dma_wait3A_40 = tpu.memref_slice %arg6[%multiple_of3A] : memref<16384xf32, #tpu.memory_space<hbm>> -> memref<512xf32, #tpu.memory_space<hbm>>
      tpu.wait_dma2 semaphore(%run_scoped3A : memref<!tpu.dma_semaphore, #tpu.memory_space<semaphore_mem>>) src(%arg11 : memref<512xf32, #tpu.memory_space<vmem>>) dst(%dma_wait3A_40 : memref<512xf32, #tpu.memory_space<hbm>>)
      tpu.yield
    }) : () -> ()
    return
  }
}

</mosaic_0001>

<sc_bundles>
// kernel: _mf.3.cloned.1.call-start
scs
__scs_entry_jumppad:
0x0: {  	(pc) =	sbr.rel $0x88, $3  }
0x1: {  	(tag) =	ssettag $0x0;
	lr =	simm.s32 $0x1  }
0x2: {  	[smem:$0x3F9D] =	sst lr;
	_ =	strace $0xD0000000  }
0x3: {  	_ = 	snop  }
0x4: {  	_ = 	snop  }
0x5: {  	_ = 	snop  }
0x6: {  	_ = 	snop  }
0x7: {  	_ = 	snop  }
__scs_overlays_trampoline_lowered:
0x8: {  	[smem:$0x3FAC] =	sst s0  }
0x9: {  	[smem:$0x3FAD] =	sst s1  }
0xa: {  	[smem:$0x3FAE] =	sst s2  }
0xb: {  	[smem:$0x3FAF] =	sst s3  }
0xc: {  	[smem:$0x3FB0] =	sst s4  }
0xd: {  	[smem:$0x3FB1] =	sst s5  }
0xe: {  	[smem:$0x3FB2] =	sst s6  }
0xf: {  	[smem:$0x3FB3] =	sst s7  }
0x10: {  	[smem:$0x3FB4] =	sst s8  }
0x11: {  	[smem:$0x3FB5] =	sst s9;
	s0 =	simm.s32 @!p0 $0x0  }
0x12: {  	s1 =	sld [smem:$0x3F9B];
	s0 =	simm.s32 @p0 $0x1  }
0x13: {  	[smem:$0x3FB6] =	sst s0;
	s0 =	simm.s32 @!p1 $0x0  }
0x14: {  	s2 =	sld [smem:$0x3F9A];
	s0 =	simm.s32 @p1 $0x1  }
0x15: {  	[smem:$0x3FB7] =	sst s0;
	s0 =	simm.s32 @!p2 $0x0  }
0x16: {  	s3 =	sld [smem:$0x3FDB];
	s0 =	simm.s32 @p2 $0x1  }
0x17: {  	s4 =	simm.s32 $0x1BF5;
	[smem:$0x3FB9] =	sst s0  }
0x18: {  	s0 =	sld [smem:$0x3F9C];
	_ =	swait.ge [sflag:s4], $0x0  }
0x19: {  	s7 =	sld [smem:$0x3F9D]  }
0x1a: {  	s8 =	sadd.s32 $0xFFFFE003, lr  }
0x1b: {  	s9 =	sadd.s32 $0xFFFFFEF7, lr;
	s5 =	simm.s32 $0xFFFFFFFF;
	p2 =	slt.u32 s8, $0xFFFFF086  }
0x1c: {  	p1 =	slt.u32 s9, $0xF7A;
	s5 =	simm.s32 @!p2 $0x0  }
0x1d: {  	s5 =	simm.s32 @p1 $0x1;
	p0 =	seq.s32 s7, s2  }
0x1e: {  	s7 =	smul.u32 @!p0 $0xF7A, s2;
	p2 =	seq.s32 @!p0 s5, $0x0  }
0x1f: {  	s9 =	smul.u32 $0xF7A, s1;
	s8 =	simm.s32 @!p0 $0x1BF5;
	p2 =	por !p2, p0  }
0x20: {  	[sflag:s8] =	ssyncset.s32 @!p0 $0xFFFFF086;
	s6 =	sadd.s32 @!p0 s3, s7;
	s7 =	simm.s32 @!p0 $0x108  }
0x21: {  	s3 =	sadd.s32 s3, s9;
	s6 =	sadd.s32 @!p0 $0x88, s6;
	s7 =	simm.s32 @p2 $0x1082  }
0x22: {  	[simem:s7], [sflag:s8] =	dma.local @!p0 [hbm:s6], $0xF7A  }
0x23: {  	s9 =	sor.u32 $0xD0000000, s2;
	s6 =	simm.s32 $0x108;
	_ =	swait.ge @!p0 [sflag:s8], $0x0  }
0x24: {  	s3 =	sadd.s32 $0x88, s3;
	s6 =	simm.s32 @!p1 $0x1082;
	[sflag:s4] =	ssyncset.s32 $0xFFFFF086  }
0x25: {  	[simem:s6], [sflag:s4] =	dma.local [hbm:s3], $0xF7A  }
0x26: {  	[smem:$0x3F9D] =	sst s1;
	(tag) =	ssettag s2;
	_ =	strace s9  }
0x27: {  	s1 =	sld [smem:$0x3FAD]  }
0x28: {  	s2 =	sld [smem:$0x3FAE]  }
0x29: {  	s4 =	sld [smem:$0x3FB0]  }
0x2a: {  	p0 =	seq.s32 s5, $0x0;
	s5 =	sld [smem:$0x3FB1]  }
0x2b: {  	s6 =	sld [smem:$0x3FB2]  }
0x2c: {  	s7 =	sld [smem:$0x3FB3]  }
0x2d: {  	s3 =	simm.s32 $0x108;
	s8 =	sld [smem:$0x3FB4]  }
0x2e: {  	s3 =	simm.s32 @!p0 $0x1082;
	s9 =	sld [smem:$0x3FB5]  }
0x2f: {  	lr =	sadd.s32 s0, s3;
	s0 =	sld [smem:$0x3FAC]  }
0x30: {  	s3 =	sld [smem:$0x3FAF]  }
0x31: {  	[smem:$0x3FB8] =	sst s10  }
0x32: {  	s10 =	sld [smem:$0x3FB6];
	_ =	sdelay $0x3  }
0x33: {  	p0 =	seq.s32 s10, $0x1;
	s10 =	sld [smem:$0x3FB8];
	_ =	sdelay $0x3  }
0x34: {  	[smem:$0x3FB8] =	sst s10  }
0x35: {  	s10 =	sld [smem:$0x3FB7];
	_ =	sdelay $0x3  }
0x36: {  	p1 =	seq.s32 s10, $0x1;
	s10 =	sld [smem:$0x3FB8];
	_ =	sdelay $0x3  }
0x37: {  	[smem:$0x3FB8] =	sst s10  }
0x38: {  	s10 =	sld [smem:$0x3FB9]  }
0x39: {  	_ = 	snop;
	(pc) =	sbr.ind lr, $3  }
0x3a: {  	_ = 	snop  }
0x3b: {  	_ = 	snop  }
0x3c: {  	p2 =	seq.s32 s10, $0x1;
	s10 =	sld [smem:$0x3FB8]  }
0x3d: {  	_ =	shalt  }
0x3e: {  	_ =	shalt  }
0x3f: {  	_ =	shalt  }
0x40: {  	_ =	shalt  }
0x41: {  	_ =	shalt  }
0x42: {  	_ =	shalt  }
0x43: {  	_ =	shalt  }
0x44: {  	_ =	shalt  }
0x45: {  	_ =	shalt  }
0x46: {  	_ =	shalt  }
0x47: {  	_ =	shalt  }
0x48: {  	_ =	shalt  }
0x49: {  	_ =	shalt  }
0x4a: {  	_ =	shalt  }
0x4b: {  	_ =	shalt  }
0x4c: {  	_ =	shalt  }
0x4d: {  	_ =	shalt  }
0x4e: {  	_ =	shalt  }
0x4f: {  	_ =	shalt  }
0x50: {  	_ =	shalt  }
0x51: {  	_ =	shalt  }
0x52: {  	_ =	shalt  }
0x53: {  	_ =	shalt  }
0x54: {  	_ =	shalt  }
0x55: {  	_ =	shalt  }
0x56: {  	_ =	shalt  }
0x57: {  	_ =	shalt  }
0x58: {  	_ =	shalt  }
0x59: {  	_ =	shalt  }
0x5a: {  	_ =	shalt  }
0x5b: {  	_ =	shalt  }
0x5c: {  	_ =	shalt  }
0x5d: {  	_ =	shalt  }
0x5e: {  	_ =	shalt  }
0x5f: {  	_ =	shalt  }
0x60: {  	_ =	shalt  }
0x61: {  	_ =	shalt  }
0x62: {  	_ =	shalt  }
0x63: {  	_ =	shalt  }
0x64: {  	_ =	shalt  }
0x65: {  	_ =	shalt  }
0x66: {  	_ =	shalt  }
0x67: {  	_ =	shalt  }
0x68: {  	_ =	shalt  }
0x69: {  	_ =	shalt  }
0x6a: {  	_ =	shalt  }
0x6b: {  	_ =	shalt  }
0x6c: {  	_ =	shalt  }
0x6d: {  	_ =	shalt  }
0x6e: {  	_ =	shalt  }
0x6f: {  	_ =	shalt  }
0x70: {  	_ =	shalt  }
0x71: {  	_ =	shalt  }
0x72: {  	_ =	shalt  }
0x73: {  	_ =	shalt  }
0x74: {  	_ =	shalt  }
0x75: {  	_ =	shalt  }
0x76: {  	_ =	shalt  }
0x77: {  	_ =	shalt  }
0x78: {  	_ =	shalt  }
0x79: {  	_ =	shalt  }
0x7a: {  	_ =	shalt  }
0x7b: {  	_ =	shalt  }
0x7c: {  	_ =	shalt  }
0x7d: {  	_ =	shalt  }
0x7e: {  	_ =	shalt  }
0x7f: {  	_ =	shalt  }
0x80: {  	_ =	shalt  }
0x81: {  	_ =	shalt  }
0x82: {  	_ =	shalt  }
0x83: {  	_ =	shalt  }
0x84: {  	_ =	shalt  }
0x85: {  	_ =	shalt  }
0x86: {  	_ =	shalt  }
0x87: {  	_ =	shalt  }
.Lfunc_end0:
.L_simem_size_0:
called_computation_lowered:
.L_overlay_start_0:
0x88: {  	s2 =	sld [smem:$0x3FD9]  }
0x89: {  	s3 =	sld [smem:$0x3FFE];
	_ =	sdelay $0x1  }
0x8a: {  	s1 =	srdreg.scid  }
0x8b: {  	s0 =	sand.u32 $0x1, s1  }
0x8c: {  	s18 =	sshll.u32 s0, $0xA;
	s2 =	sadd.s32 s3, s2  }
0x8d: {  	s2 =	sadd.s32 s2, s18  }
0x8e: {  	[smem:$0x3FC4] =	sst s2  }
0x8f: {  	_ = 	snop  }
0x90: {  	s2 =	sld [smem:$0x3FC9]  }
0x91: {  	s19 =	sld [smem:$0x3FC8]  }
0x92: {  	s4 =	sld [smem:$0x3FC7]  }
0x93: {  	s5 =	sld [smem:$0x3FC6]  }
0x94: {  	s6 =	sld [smem:$0x3FD0];
	(tm) =	ssettm $0x1  }
0x95: {  	s7 =	sld [smem:$0x3FFB];
	_ =	sdelay $0x3  }
0x96: {  	_ =	strace s7  }
0x97: {  	s7 =	sld [smem:$0x3FFC];
	_ =	sdelay $0x3  }
0x98: {  	_ =	strace s7  }
0x99: {  	s7 =	sld [smem:$0x3FFD];
	_ =	sdelay $0x3  }
0x9a: {  	_ =	strace s7  }
0x9b: {  	_ =	strace $0x8FFFFFFF  }
0x9c: {  	s20 =	sld [smem:$0x3FDB];
	_ =	sdelay $0x1  }
0x9d: {  	s8 =	simm.s32 $_scs_section_size  }
0x9e: {  	s9 =	simm.s32 $_size__tile_overlayer_lowered;
	s10 =	simm.s32 $_tile_overlayer_lowered  }
0x9f: {  	s23 =	simm.s32 $0x1BFF;
	s22 =	sshll.u32 s10, $0x1;
	s7 =	sadd.s32 s8, s20  }
0xa0: {  	s11 =	simm.s32 $0x0;
	s21 =	sshll.u32 s9, $0x1;
	s9 =	sadd.s32 s22, s7  }
0xa1: {  	[timem:s11], [sflag:s23] =	dma.local [hbm:s9], s21  }
0xa2: {  	_ =	swait.ge [sflag:s23], s21  }
0xa3: {  	s8 =	ssub.s32 $0x0, s21;
	[sflag:s23] =	ssyncset.done $0x0  }
0xa4: {  	[sflag:s23] =	ssyncadd.s32 s8;
	_ =	sdelay $0x1  }
0xa5: {  	s24 =	simm.s32 $0x1B8B  }
0xa6: {  	_ =	swait.ge [sflag:s24], $0x1  }
0xa7: {  	[sflag:s24] =	ssyncset.done $0x0  }
0xa8: {  	s25 =	simm.s32 $0x1B8E;
	[sflag:s24] =	ssyncadd.s32 $0xFFFFFFFF  }
0xa9: {  	s26 =	simm.s32 $execute0_lowered;
	[smem:$0x3FD2] =	sst s25  }
0xaa: {  	s8 =	sshll.u32 s26, $0x1;
	_ =	strace $0x80000046;
	[dreg:$0x1] =	wrdreg $0xFFFFFFFF  }
0xab: {  	s28 =	simm.s32 $_size_execute0_lowered;
	s7 =	sadd.s32 s7, s8;
	[dreg:$0x0] =	wrdreg $0x0  }
0xac: {  	s8 =	sshll.u32 s28, $0x1;
	[dreg:$0x2] =	wrdreg s7  }
0xad: {  	[dreg:$0x3] =	wrdreg s8  }
0xae: {  	[dreg:$0x4] =	wrdreg $0xC0  }
0xaf: {  	_ =	task [dreg:s11], $0x5FFFF  }
0xb0: {  	[dreg:$0x1] =	wrdreg $0xFFFFFFFF  }
0xb1: {  	[dreg:$0x0] =	wrdreg $0x60  }
0xb2: {  	[dreg:$0x2] =	wrdreg s2  }
0xb3: {  	[dreg:$0x3] =	wrdreg s19  }
0xb4: {  	[dreg:$0x4] =	wrdreg s4  }
0xb5: {  	[dreg:$0x5] =	wrdreg s5  }
0xb6: {  	[dreg:$0x6] =	wrdreg s6  }
0xb7: {  	[dreg:$0x7] =	wrdreg $0x9  }
0xb8: {  	_ =	task.clear_ibuf [dreg:s11], $0x8FFFF;
	_ =	strace $0x90000046  }
0xb9: {  	s29 =	simm.s32 $0x9;
	_ =	strace $0x80000048  }
0xba: {  	_ =	swait.ge [sflag:s29], $0x1  }
0xbb: {  	[sflag:s29] =	ssyncadd.s32 $0xFFFFFFFF  }
0xbc: {  	_ =	strace $0x90000048  }
0xbd: {  	_ =	sfence  }
0xbe: {  	s30 =	sld [smem:$0x0];
	_ =	sdelay $0x2  }
0xbf: {  	s31 =	sshll.u32 s1, $0xD;
	s1 =	sshrl.u32 s1, $0x2  }
0xc0: {  	s3 =	sand.u32 $0x4000, s31;
	s1 =	sadd.s32 s1, s30  }
0xc1: {  	s0 =	sor.u32 s3, s0;
	s1 =	sshll.u32 s1, $0x11  }
0xc2: {  	s0 =	sor.u32 s1, s0  }
0xc3: {  	s0 =	sadd.s32 $0x8F2B, s0  }
0xc4: {  	[sflag:s0] =	ssyncadd.remote.s32 $0x1  }
0xc5: {  	_ =	sfence.sel $0xFFFF  }
0xc6: {  	[dreg:$0x0] =	wrdreg $0xFFFFFFFF;
	(pc) =	sbr.abs _section_cstart, $3  }
0xc7: {  	[dreg:$0x1] =	wrdreg $0xFFFFFFFF  }
0xc8: {  	_ =	task.clear_ibuf [dreg:s11], $0x2FFFF;
	_ =	strace $0x9FFFFFFF  }
0xc9: {  	(tm) =	ssettm $0x7FFFFFFF  }
tec
execute0_lowered:
.L_overlay_start_1:
0x0: {  	(tag) =	ssettag $0x1  }
0x1: {  	s5 =	rddreg [dreg:$0x0]  }
0x2: {  	s6 =	rddreg [dreg:$0x1]  }
0x3: {  	s1 =	rddreg [dreg:$0x2]  }
0x4: {  	s2 =	rddreg [dreg:$0x3]  }
0x5: {  	s7 =	rddreg [dreg:$0x4]  }
0x6: {  	s0 =	rddreg [dreg:$0x5];
	s4 =	simm.s32 $0x0;
	s8 =	srdreg.scid  }
0x7: {  	s3 =	stileid.u32;
	v0 =	vlaneseq.u32;
	s12 =	simm.s32 $0x80;
	s13 =	simm.s32 $0x400  }
0x8: {  	s14 =	simm.s32 $0x8400;
	s15 =	simm.s32 $0x10600;
	s16 =	simm.s32 $0x10400;
	v0 =	vmul.u32 $0x11, v0  }
0x9: {  	s17 =	simm.s32 $0x7;
	s18 =	simm.s32 $0x0;
	s8 =	sand.u32 $0x1, s8  }
0xa: {  	[smem:$0x7FF] =	sst s4;
	s10 =	sshll.u32 s3, $0x6;
	s9 =	ssub.s32 $0x2, s8;
	v1 =	vadd.s32 $0x1, v0;
	v2 =	vadd.s32 $0x2, v0;
	v3 =	vadd.s32 $0x3, v0  }
0xb: {  	s8 =	sshll.u32 s8, $0xA;
	_ =	strace $0x80000047;
	s11 =	sshrl.u32 s9, $0x1;
	v4 =	vadd.s32 $0x4, v0;
	v5 =	vadd.s32 $0x5, v0;
	v6 =	vadd.s32 $0x6, v0  }
0xc: {  	s8 =	sor.u32 s10, s8;
	s10 =	simm.s32 $0x5;
	v7 =	vadd.s32 $0x7, v0;
	v8 =	vadd.s32 $0x8, v0;
	v9 =	vadd.s32 $0x9, v0;
	s9 =	ssub.s32 s9, s11  }
0xd: {  	v10 =	vadd.s32 $0xA, v0;
	v11 =	vadd.s32 $0xB, v0;
	v12 =	vadd.s32 $0xC, v0;
	s5 =	sadd.s32 s5, s8;
	s6 =	sadd.s32 s6, s8;
	s7 =	sadd.s32 s7, s8  }
0xe: {  	v13 =	vadd.s32 $0xD, v0;
	v14 =	vadd.s32 $0xE, v0;
	v15 =	vadd.s32 $0xF, v0;
	s11 =	simm.s32 $0x6;
	s8 =	smax.u32 s9, $0x1;
	s9 =	simm.s32 $0x200  }
.LBB2_1:
0xf: {  	[tilespmem:s4], [sflag:$0x5] =	stream.linear.gather [hbm4b:s5+s4], $0x200, $0x38;
	[tilespmem:$0x10780] =	vst v63  }
0x10: {  	_ = 	snop  }
0x11: {  	[tilespmem:s9], [sflag:$0x6] =	stream.linear.gather [hbm4b:s6+s4], $0x200, $0x38;
	[tilespmem:$0x10780] =	vst v63  }
0x12: {  	_ =	swait.ge [sflag:s10], $0x200  }
0x13: {  	[sflag:s10] =	ssyncset.done $0x0  }
0x14: {  	[sflag:s10] =	ssyncadd.s32 $0xFFFFFE00  }
0x15: {  	_ =	swait.ge [sflag:s11], $0x200  }
0x16: {  	[sflag:s11] =	ssyncset.done $0x0  }
0x17: {  	[sflag:s11] =	ssyncadd.s32 $0xFFFFFE00  }
0x18: {  	[tilespmem:s13], [sflag:$0x1] =	stream.indirect.gather [hbm4b:s1+s12], $0x80, s4, s12, $0xb8;
	[tilespmem:$0x10780] =	vst v63  }
0x19: {  	s19 =	simm.s32 $0x0  }
0x1a: {  	[tilespmem:s14], [sflag:$0x3] =	stream.indirect.gather [hbm4b:s2+s12], $0x80, s9, s12, $0xb8;
	[tilespmem:$0x10780] =	vst v63  }
.LBB2_3:
0x1b: {  	s20 =	smov.u32 s19  }
0x1c: {  	s19 =	sadd.s32 $0x1, s19;
	p0 =	seq.s32 s20, $0x3  }
0x1d: {  	s21 =	sand.u32 @!p0 $0x1, s19  }
0x1e: {  	s23 =	sand.u32 $0x1, s20;
	s25 =	sshll.u32 @!p0 s19, $0x7;
	s22 =	sshll.u32 @!p0 s21, $0xE  }
0x1f: {  	s28 =	simm.s32 @!p0 $0x80;
	s26 =	sadd.s32 @!p0 $0x1, s21;
	s24 =	sor.u32 @!p0 $0x400, s22  }
0x20: {  	[tilespmem:s24], [sflag:s26] =	stream.indirect.gather @!p0 [hbm4b:s1+s28], $0x80, s25, s28, $0xb8;
	[tilespmem:$0x10780] =	vst v63  }
0x21: {  	s21 =	sadd.s32 @!p0 $0x3, s21;
	s22 =	sor.u32 @!p0 $0x8400, s22;
	s24 =	sadd.s32 @!p0 $0x200, s25  }
0x22: {  	[tilespmem:s22], [sflag:s21] =	stream.indirect.gather @!p0 [hbm4b:s2+s28], $0x80, s24, s28, $0xb8;
	[tilespmem:$0x10780] =	vst v63  }
0x23: {  	s28 =	sadd.s32 $0x1, s23  }
0x24: {  	_ =	swait.ge [sflag:s28], $0x4000  }
0x25: {  	s30 =	sshll.u32 s23, $0xE;
	[sflag:s28] =	ssyncset.done $0x0  }
0x26: {  	s20 =	sshll.u32 s20, $0x7;
	s29 =	sadd.s32 $0x3, s23;
	v16 =	vmov s30;
	[sflag:s28] =	ssyncadd.s32 $0xFFFFC000  }
0x27: {  	s20 =	sand.u32 $0x3FFFFF80, s20;
	_ =	swait.ge [sflag:s29], $0x4000  }
0x28: {  	s31 =	sadd.s32 $0x10400, s20;
	[sflag:s29] =	ssyncset.done $0x0  }
0x29: {  	s20 =	simm.s32 $0x0;
	v17 =	vmov s31;
	[sflag:s29] =	ssyncadd.s32 $0xFFFFC000  }
.LBB2_4:
0x2a: {  	s21 =	sshll.u32 s20, $0xB  }
0x2b: {  	v18 =	vld.idx.msk [tilespmem:v16+s21+$0x400 ss:$0x1], $0xffff  }
0x2c: {  	v19 =	vld.idx.msk [tilespmem:v16+s21+$0x8400 ss:$0x1], $0xffff  }
0x2d: {  	v20 =	vld.idx.msk [tilespmem:v16+s21+$0x410 ss:$0x1], $0xffff  }
0x2e: {  	v21 =	vld.idx.msk [tilespmem:v16+s21+$0x8410 ss:$0x1], $0xffff  }
0x2f: {  	v22 =	vld.idx.msk [tilespmem:v16+s21+$0x420 ss:$0x1], $0xffff  }
0x30: {  	v23 =	vld.idx.msk [tilespmem:v16+s21+$0x8420 ss:$0x1], $0xffff  }
0x31: {  	v24 =	vld.idx.msk [tilespmem:v16+s21+$0x430 ss:$0x1], $0xffff  }
0x32: {  	v25 =	vld.idx.msk [tilespmem:v16+s21+$0x8430 ss:$0x1], $0xffff  }
0x33: {  	v54 =	vld.idx.msk [tilespmem:v16+s21+$0x440 ss:$0x1], $0xffff;
	v18 =	vmul.f32 v19, v18;
	v19 =	vmul.f32 v21, v20  }
0x34: {  	v55 =	vld.idx.msk [tilespmem:v16+s21+$0x8440 ss:$0x1], $0xffff  }
0x35: {  	v56 =	vld.idx.msk [tilespmem:v16+s21+$0x450 ss:$0x1], $0xffff;
	v18 =	vadd.f32 v19, v18;
	v19 =	vmul.f32 v23, v22  }
0x36: {  	v57 =	vld.idx.msk [tilespmem:v16+s21+$0x8450 ss:$0x1], $0xffff  }
0x37: {  	v58 =	vld.idx.msk [tilespmem:v16+s21+$0x460 ss:$0x1], $0xffff;
	v18 =	vadd.f32 v19, v18;
	v19 =	vmul.f32 v25, v24  }
0x38: {  	v59 =	vld.idx.msk [tilespmem:v16+s21+$0x8460 ss:$0x1], $0xffff  }
0x39: {  	v60 =	vld.idx.msk [tilespmem:v16+s21+$0x470 ss:$0x1], $0xffff;
	v18 =	vadd.f32 v19, v18;
	v19 =	vmul.f32 v55, v54  }
0x3a: {  	v61 =	vld.idx.msk [tilespmem:v16+s21+$0x8470 ss:$0x1], $0xffff  }
0x3b: {  	v18 =	vadd.f32 v19, v18;
	v19 =	vmul.f32 v57, v56;
	_ =	sdelay $0x1  }
0x3c: {  	v18 =	vadd.f32 v19, v18;
	v19 =	vmul.f32 v59, v58;
	_ =	sdelay $0x1  }
0x3d: {  	v18 =	vadd.f32 v19, v18;
	v19 =	vmul.f32 v61, v60;
	_ =	sdelay $0x1  }
0x3e: {  	v18 =	vadd.f32 v19, v18;
	_ =	sdelay $0x1  }
0x3f: {  	[tilespmem:$0x10600] =	vst v18  }
0x40: {  	v18 =	vld.idx.msk [tilespmem:v16+s21+$0x480 ss:$0x1], $0xffff  }
0x41: {  	v19 =	vld.idx.msk [tilespmem:v16+s21+$0x8480 ss:$0x1], $0xffff  }
0x42: {  	v62 =	vld.idx.msk [tilespmem:v16+s21+$0x490 ss:$0x1], $0xffff  }
0x43: {  	v63 =	vld.idx.msk [tilespmem:v16+s21+$0x8490 ss:$0x1], $0xffff  }
0x44: {  	v28 =	vld.idx.msk [tilespmem:v16+s21+$0x4A0 ss:$0x1], $0xffff  }
0x45: {  	v29 =	vld.idx.msk [tilespmem:v16+s21+$0x84A0 ss:$0x1], $0xffff  }
0x46: {  	v30 =	vld.idx.msk [tilespmem:v16+s21+$0x4B0 ss:$0x1], $0xffff  }
0x47: {  	v31 =	vld.idx.msk [tilespmem:v16+s21+$0x84B0 ss:$0x1], $0xffff  }
0x48: {  	v32 =	vld.idx.msk [tilespmem:v16+s21+$0x4C0 ss:$0x1], $0xffff;
	v18 =	vmul.f32 v19, v18;
	v19 =	vmul.f32 v63, v62  }
0x49: {  	v33 =	vld.idx.msk [tilespmem:v16+s21+$0x84C0 ss:$0x1], $0xffff  }
0x4a: {  	v34 =	vld.idx.msk [tilespmem:v16+s21+$0x4D0 ss:$0x1], $0xffff;
	v18 =	vadd.f32 v19, v18;
	v19 =	vmul.f32 v29, v28  }
0x4b: {  	v35 =	vld.idx.msk [tilespmem:v16+s21+$0x84D0 ss:$0x1], $0xffff  }
0x4c: {  	v36 =	vld.idx.msk [tilespmem:v16+s21+$0x4E0 ss:$0x1], $0xffff;
	v18 =	vadd.f32 v19, v18;
	v19 =	vmul.f32 v31, v30  }
0x4d: {  	v37 =	vld.idx.msk [tilespmem:v16+s21+$0x84E0 ss:$0x1], $0xffff  }
0x4e: {  	v38 =	vld.idx.msk [tilespmem:v16+s21+$0x4F0 ss:$0x1], $0xffff;
	v18 =	vadd.f32 v19, v18;
	v19 =	vmul.f32 v33, v32  }
0x4f: {  	v39 =	vld.idx.msk [tilespmem:v16+s21+$0x84F0 ss:$0x1], $0xffff  }
0x50: {  	v18 =	vadd.f32 v19, v18;
	v19 =	vmul.f32 v35, v34;
	_ =	sdelay $0x1  }
0x51: {  	v18 =	vadd.f32 v19, v18;
	v19 =	vmul.f32 v37, v36;
	_ =	sdelay $0x1  }
0x52: {  	v18 =	vadd.f32 v19, v18;
	v19 =	vmul.f32 v39, v38;
	_ =	sdelay $0x1  }
0x53: {  	v18 =	vadd.f32 v19, v18;
	_ =	sdelay $0x1  }
0x54: {  	[tilespmem:$0x10611] =	vst v18  }
0x55: {  	v18 =	vld.idx.msk [tilespmem:v16+s21+$0x500 ss:$0x1], $0xffff  }
0x56: {  	v19 =	vld.idx.msk [tilespmem:v16+s21+$0x8500 ss:$0x1], $0xffff  }
0x57: {  	v40 =	vld.idx.msk [tilespmem:v16+s21+$0x510 ss:$0x1], $0xffff  }
0x58: {  	v41 =	vld.idx.msk [tilespmem:v16+s21+$0x8510 ss:$0x1], $0xffff  }
0x59: {  	v42 =	vld.idx.msk [tilespmem:v16+s21+$0x520 ss:$0x1], $0xffff  }
0x5a: {  	v43 =	vld.idx.msk [tilespmem:v16+s21+$0x8520 ss:$0x1], $0xffff  }
0x5b: {  	v44 =	vld.idx.msk [tilespmem:v16+s21+$0x530 ss:$0x1], $0xffff  }
0x5c: {  	v45 =	vld.idx.msk [tilespmem:v16+s21+$0x8530 ss:$0x1], $0xffff  }
0x5d: {  	v46 =	vld.idx.msk [tilespmem:v16+s21+$0x540 ss:$0x1], $0xffff;
	v18 =	vmul.f32 v19, v18;
	v19 =	vmul.f32 v41, v40  }
0x5e: {  	v47 =	vld.idx.msk [tilespmem:v16+s21+$0x8540 ss:$0x1], $0xffff  }
0x5f: {  	v48 =	vld.idx.msk [tilespmem:v16+s21+$0x550 ss:$0x1], $0xffff;
	v18 =	vadd.f32 v19, v18;
	v19 =	vmul.f32 v43, v42  }
0x60: {  	v49 =	vld.idx.msk [tilespmem:v16+s21+$0x8550 ss:$0x1], $0xffff  }
0x61: {  	v50 =	vld.idx.msk [tilespmem:v16+s21+$0x560 ss:$0x1], $0xffff;
	v18 =	vadd.f32 v19, v18;
	v19 =	vmul.f32 v45, v44  }
0x62: {  	v51 =	vld.idx.msk [tilespmem:v16+s21+$0x8560 ss:$0x1], $0xffff  }
0x63: {  	v52 =	vld.idx.msk [tilespmem:v16+s21+$0x570 ss:$0x1], $0xffff;
	v18 =	vadd.f32 v19, v18;
	v19 =	vmul.f32 v47, v46  }
0x64: {  	v53 =	vld.idx.msk [tilespmem:v16+s21+$0x8570 ss:$0x1], $0xffff  }
0x65: {  	v18 =	vadd.f32 v19, v18;
	v19 =	vmul.f32 v49, v48;
	_ =	sdelay $0x1  }
0x66: {  	v18 =	vadd.f32 v19, v18;
	v19 =	vmul.f32 v51, v50;
	_ =	sdelay $0x1  }
0x67: {  	v18 =	vadd.f32 v19, v18;
	v19 =	vmul.f32 v53, v52;
	_ =	sdelay $0x1  }
0x68: {  	v18 =	vadd.f32 v19, v18;
	_ =	sdelay $0x1  }
0x69: {  	[tilespmem:$0x10622] =	vst v18  }
0x6a: {  	v18 =	vld.idx.msk [tilespmem:v16+s21+$0x580 ss:$0x1], $0xffff  }
0x6b: {  	v19 =	vld.idx.msk [tilespmem:v16+s21+$0x8580 ss:$0x1], $0xffff  }
0x6c: {  	v54 =	vld.idx.msk [tilespmem:v16+s21+$0x590 ss:$0x1], $0xffff  }
0x6d: {  	v55 =	vld.idx.msk [tilespmem:v16+s21+$0x8590 ss:$0x1], $0xffff  }
0x6e: {  	v56 =	vld.idx.msk [tilespmem:v16+s21+$0x5A0 ss:$0x1], $0xffff  }
0x6f: {  	v57 =	vld.idx.msk [tilespmem:v16+s21+$0x85A0 ss:$0x1], $0xffff  }
0x70: {  	v58 =	vld.idx.msk [tilespmem:v16+s21+$0x5B0 ss:$0x1], $0xffff  }
0x71: {  	v59 =	vld.idx.msk [tilespmem:v16+s21+$0x85B0 ss:$0x1], $0xffff  }
0x72: {  	v60 =	vld.idx.msk [tilespmem:v16+s21+$0x5C0 ss:$0x1], $0xffff;
	v18 =	vmul.f32 v19, v18;
	v19 =	vmul.f32 v55, v54  }
0x73: {  	v61 =	vld.idx.msk [tilespmem:v16+s21+$0x85C0 ss:$0x1], $0xffff  }
0x74: {  	v62 =	vld.idx.msk [tilespmem:v16+s21+$0x5D0 ss:$0x1], $0xffff;
	v18 =	vadd.f32 v19, v18;
	v19 =	vmul.f32 v57, v56  }
0x75: {  	v63 =	vld.idx.msk [tilespmem:v16+s21+$0x85D0 ss:$0x1], $0xffff  }
0x76: {  	v28 =	vld.idx.msk [tilespmem:v16+s21+$0x5E0 ss:$0x1], $0xffff;
	v18 =	vadd.f32 v19, v18;
	v19 =	vmul.f32 v59, v58  }
0x77: {  	v29 =	vld.idx.msk [tilespmem:v16+s21+$0x85E0 ss:$0x1], $0xffff  }
0x78: {  	v30 =	vld.idx.msk [tilespmem:v16+s21+$0x5F0 ss:$0x1], $0xffff;
	v18 =	vadd.f32 v19, v18;
	v19 =	vmul.f32 v61, v60  }
0x79: {  	v31 =	vld.idx.msk [tilespmem:v16+s21+$0x85F0 ss:$0x1], $0xffff  }
0x7a: {  	v18 =	vadd.f32 v19, v18;
	v19 =	vmul.f32 v63, v62;
	_ =	sdelay $0x1  }
0x7b: {  	v18 =	vadd.f32 v19, v18;
	v19 =	vmul.f32 v29, v28;
	_ =	sdelay $0x1  }
0x7c: {  	v18 =	vadd.f32 v19, v18;
	v19 =	vmul.f32 v31, v30;
	_ =	sdelay $0x1  }
0x7d: {  	v18 =	vadd.f32 v19, v18;
	_ =	sdelay $0x1  }
0x7e: {  	[tilespmem:$0x10633] =	vst v18  }
0x7f: {  	v18 =	vld.idx.msk [tilespmem:v16+s21+$0x600 ss:$0x1], $0xffff  }
0x80: {  	v19 =	vld.idx.msk [tilespmem:v16+s21+$0x8600 ss:$0x1], $0xffff  }
0x81: {  	v32 =	vld.idx.msk [tilespmem:v16+s21+$0x610 ss:$0x1], $0xffff  }
0x82: {  	v33 =	vld.idx.msk [tilespmem:v16+s21+$0x8610 ss:$0x1], $0xffff  }
0x83: {  	v34 =	vld.idx.msk [tilespmem:v16+s21+$0x620 ss:$0x1], $0xffff  }
0x84: {  	v35 =	vld.idx.msk [tilespmem:v16+s21+$0x8620 ss:$0x1], $0xffff  }
0x85: {  	v36 =	vld.idx.msk [tilespmem:v16+s21+$0x630 ss:$0x1], $0xffff  }
0x86: {  	v37 =	vld.idx.msk [tilespmem:v16+s21+$0x8630 ss:$0x1], $0xffff  }
0x87: {  	v38 =	vld.idx.msk [tilespmem:v16+s21+$0x640 ss:$0x1], $0xffff;
	v18 =	vmul.f32 v19, v18;
	v19 =	vmul.f32 v33, v32  }
0x88: {  	v39 =	vld.idx.msk [tilespmem:v16+s21+$0x8640 ss:$0x1], $0xffff  }
0x89: {  	v40 =	vld.idx.msk [tilespmem:v16+s21+$0x650 ss:$0x1], $0xffff;
	v18 =	vadd.f32 v19, v18;
	v19 =	vmul.f32 v35, v34  }
0x8a: {  	v41 =	vld.idx.msk [tilespmem:v16+s21+$0x8650 ss:$0x1], $0xffff  }
0x8b: {  	v42 =	vld.idx.msk [tilespmem:v16+s21+$0x660 ss:$0x1], $0xffff;
	v18 =	vadd.f32 v19, v18;
	v19 =	vmul.f32 v37, v36  }
0x8c: {  	v43 =	vld.idx.msk [tilespmem:v16+s21+$0x8660 ss:$0x1], $0xffff  }
0x8d: {  	v44 =	vld.idx.msk [tilespmem:v16+s21+$0x670 ss:$0x1], $0xffff;
	v18 =	vadd.f32 v19, v18;
	v19 =	vmul.f32 v39, v38  }
0x8e: {  	v45 =	vld.idx.msk [tilespmem:v16+s21+$0x8670 ss:$0x1], $0xffff  }
0x8f: {  	v18 =	vadd.f32 v19, v18;
	v19 =	vmul.f32 v41, v40;
	_ =	sdelay $0x1  }
0x90: {  	v18 =	vadd.f32 v19, v18;
	v19 =	vmul.f32 v43, v42;
	_ =	sdelay $0x1  }
0x91: {  	v18 =	vadd.f32 v19, v18;
	v19 =	vmul.f32 v45, v44;
	_ =	sdelay $0x1  }
0x92: {  	v18 =	vadd.f32 v19, v18;
	_ =	sdelay $0x1  }
0x93: {  	[tilespmem:$0x10644] =	vst v18  }
0x94: {  	v18 =	vld.idx.msk [tilespmem:v16+s21+$0x680 ss:$0x1], $0xffff  }
0x95: {  	v19 =	vld.idx.msk [tilespmem:v16+s21+$0x8680 ss:$0x1], $0xffff  }
0x96: {  	v46 =	vld.idx.msk [tilespmem:v16+s21+$0x690 ss:$0x1], $0xffff  }
0x97: {  	v47 =	vld.idx.msk [tilespmem:v16+s21+$0x8690 ss:$0x1], $0xffff  }
0x98: {  	v48 =	vld.idx.msk [tilespmem:v16+s21+$0x6A0 ss:$0x1], $0xffff  }
0x99: {  	v49 =	vld.idx.msk [tilespmem:v16+s21+$0x86A0 ss:$0x1], $0xffff  }
0x9a: {  	v50 =	vld.idx.msk [tilespmem:v16+s21+$0x6B0 ss:$0x1], $0xffff  }
0x9b: {  	v51 =	vld.idx.msk [tilespmem:v16+s21+$0x86B0 ss:$0x1], $0xffff  }
0x9c: {  	v52 =	vld.idx.msk [tilespmem:v16+s21+$0x6C0 ss:$0x1], $0xffff;
	v18 =	vmul.f32 v19, v18;
	v19 =	vmul.f32 v47, v46  }
0x9d: {  	v53 =	vld.idx.msk [tilespmem:v16+s21+$0x86C0 ss:$0x1], $0xffff  }
0x9e: {  	v54 =	vld.idx.msk [tilespmem:v16+s21+$0x6D0 ss:$0x1], $0xffff;
	v18 =	vadd.f32 v19, v18;
	v19 =	vmul.f32 v49, v48  }
0x9f: {  	v55 =	vld.idx.msk [tilespmem:v16+s21+$0x86D0 ss:$0x1], $0xffff  }
0xa0: {  	v56 =	vld.idx.msk [tilespmem:v16+s21+$0x6E0 ss:$0x1], $0xffff;
	v18 =	vadd.f32 v19, v18;
	v19 =	vmul.f32 v51, v50  }
0xa1: {  	v57 =	vld.idx.msk [tilespmem:v16+s21+$0x86E0 ss:$0x1], $0xffff  }
0xa2: {  	v58 =	vld.idx.msk [tilespmem:v16+s21+$0x6F0 ss:$0x1], $0xffff;
	v18 =	vadd.f32 v19, v18;
	v19 =	vmul.f32 v53, v52  }
0xa3: {  	v59 =	vld.idx.msk [tilespmem:v16+s21+$0x86F0 ss:$0x1], $0xffff  }
0xa4: {  	v18 =	vadd.f32 v19, v18;
	v19 =	vmul.f32 v55, v54;
	_ =	sdelay $0x1  }
0xa5: {  	v18 =	vadd.f32 v19, v18;
	v19 =	vmul.f32 v57, v56;
	_ =	sdelay $0x1  }
0xa6: {  	v18 =	vadd.f32 v19, v18;
	v19 =	vmul.f32 v59, v58;
	_ =	sdelay $0x1  }
0xa7: {  	v18 =	vadd.f32 v19, v18;
	_ =	sdelay $0x1  }
0xa8: {  	[tilespmem:$0x10655] =	vst v18  }
0xa9: {  	v18 =	vld.idx.msk [tilespmem:v16+s21+$0x700 ss:$0x1], $0xffff  }
0xaa: {  	v19 =	vld.idx.msk [tilespmem:v16+s21+$0x8700 ss:$0x1], $0xffff  }
0xab: {  	v60 =	vld.idx.msk [tilespmem:v16+s21+$0x710 ss:$0x1], $0xffff  }
0xac: {  	v61 =	vld.idx.msk [tilespmem:v16+s21+$0x8710 ss:$0x1], $0xffff  }
0xad: {  	v62 =	vld.idx.msk [tilespmem:v16+s21+$0x720 ss:$0x1], $0xffff  }
0xae: {  	v63 =	vld.idx.msk [tilespmem:v16+s21+$0x8720 ss:$0x1], $0xffff  }
0xaf: {  	v28 =	vld.idx.msk [tilespmem:v16+s21+$0x730 ss:$0x1], $0xffff  }
0xb0: {  	v29 =	vld.idx.msk [tilespmem:v16+s21+$0x8730 ss:$0x1], $0xffff  }
0xb1: {  	v30 =	vld.idx.msk [tilespmem:v16+s21+$0x740 ss:$0x1], $0xffff;
	v18 =	vmul.f32 v19, v18;
	v19 =	vmul.f32 v61, v60  }
0xb2: {  	v31 =	vld.idx.msk [tilespmem:v16+s21+$0x8740 ss:$0x1], $0xffff  }
0xb3: {  	v32 =	vld.idx.msk [tilespmem:v16+s21+$0x750 ss:$0x1], $0xffff;
	v18 =	vadd.f32 v19, v18;
	v19 =	vmul.f32 v63, v62  }
0xb4: {  	v33 =	vld.idx.msk [tilespmem:v16+s21+$0x8750 ss:$0x1], $0xffff  }
0xb5: {  	v34 =	vld.idx.msk [tilespmem:v16+s21+$0x760 ss:$0x1], $0xffff;
	v18 =	vadd.f32 v19, v18;
	v19 =	vmul.f32 v29, v28  }
0xb6: {  	v35 =	vld.idx.msk [tilespmem:v16+s21+$0x8760 ss:$0x1], $0xffff  }
0xb7: {  	v36 =	vld.idx.msk [tilespmem:v16+s21+$0x770 ss:$0x1], $0xffff;
	v18 =	vadd.f32 v19, v18;
	v19 =	vmul.f32 v31, v30  }
0xb8: {  	v37 =	vld.idx.msk [tilespmem:v16+s21+$0x8770 ss:$0x1], $0xffff  }
0xb9: {  	v18 =	vadd.f32 v19, v18;
	v19 =	vmul.f32 v33, v32;
	_ =	sdelay $0x1  }
0xba: {  	v18 =	vadd.f32 v19, v18;
	v19 =	vmul.f32 v35, v34;
	_ =	sdelay $0x1  }
0xbb: {  	v18 =	vadd.f32 v19, v18;
	v19 =	vmul.f32 v37, v36;
	_ =	sdelay $0x1  }
0xbc: {  	v18 =	vadd.f32 v19, v18;
	_ =	sdelay $0x1  }
0xbd: {  	[tilespmem:$0x10666] =	vst v18  }
0xbe: {  	v18 =	vld.idx.msk [tilespmem:v16+s21+$0x780 ss:$0x1], $0xffff  }
0xbf: {  	v19 =	vld.idx.msk [tilespmem:v16+s21+$0x8780 ss:$0x1], $0xffff  }
0xc0: {  	v38 =	vld.idx.msk [tilespmem:v16+s21+$0x790 ss:$0x1], $0xffff  }
0xc1: {  	v39 =	vld.idx.msk [tilespmem:v16+s21+$0x8790 ss:$0x1], $0xffff  }
0xc2: {  	v40 =	vld.idx.msk [tilespmem:v16+s21+$0x7A0 ss:$0x1], $0xffff  }
0xc3: {  	v41 =	vld.idx.msk [tilespmem:v16+s21+$0x87A0 ss:$0x1], $0xffff  }
0xc4: {  	v42 =	vld.idx.msk [tilespmem:v16+s21+$0x7B0 ss:$0x1], $0xffff  }
0xc5: {  	v43 =	vld.idx.msk [tilespmem:v16+s21+$0x87B0 ss:$0x1], $0xffff  }
0xc6: {  	v44 =	vld.idx.msk [tilespmem:v16+s21+$0x7C0 ss:$0x1], $0xffff;
	v18 =	vmul.f32 v19, v18;
	v19 =	vmul.f32 v39, v38  }
0xc7: {  	v45 =	vld.idx.msk [tilespmem:v16+s21+$0x87C0 ss:$0x1], $0xffff  }
0xc8: {  	v46 =	vld.idx.msk [tilespmem:v16+s21+$0x7D0 ss:$0x1], $0xffff;
	v18 =	vadd.f32 v19, v18;
	v19 =	vmul.f32 v41, v40  }
0xc9: {  	v47 =	vld.idx.msk [tilespmem:v16+s21+$0x87D0 ss:$0x1], $0xffff  }
0xca: {  	v48 =	vld.idx.msk [tilespmem:v16+s21+$0x7E0 ss:$0x1], $0xffff;
	v18 =	vadd.f32 v19, v18;
	v19 =	vmul.f32 v43, v42  }
0xcb: {  	v49 =	vld.idx.msk [tilespmem:v16+s21+$0x87E0 ss:$0x1], $0xffff  }
0xcc: {  	v50 =	vld.idx.msk [tilespmem:v16+s21+$0x7F0 ss:$0x1], $0xffff;
	v18 =	vadd.f32 v19, v18;
	v19 =	vmul.f32 v45, v44  }
0xcd: {  	v51 =	vld.idx.msk [tilespmem:v16+s21+$0x87F0 ss:$0x1], $0xffff  }
0xce: {  	v18 =	vadd.f32 v19, v18;
	v19 =	vmul.f32 v47, v46;
	_ =	sdelay $0x1  }
0xcf: {  	v18 =	vadd.f32 v19, v18;
	v19 =	vmul.f32 v49, v48;
	_ =	sdelay $0x1  }
0xd0: {  	v18 =	vadd.f32 v19, v18;
	v19 =	vmul.f32 v51, v50;
	_ =	sdelay $0x1  }
0xd1: {  	v18 =	vadd.f32 v19, v18;
	_ =	sdelay $0x1  }
0xd2: {  	[tilespmem:$0x10677] =	vst v18  }
0xd3: {  	v18 =	vld.idx.msk [tilespmem:v16+s21+$0x800 ss:$0x1], $0xffff  }
0xd4: {  	v19 =	vld.idx.msk [tilespmem:v16+s21+$0x8800 ss:$0x1], $0xffff  }
0xd5: {  	v52 =	vld.idx.msk [tilespmem:v16+s21+$0x810 ss:$0x1], $0xffff  }
0xd6: {  	v53 =	vld.idx.msk [tilespmem:v16+s21+$0x8810 ss:$0x1], $0xffff  }
0xd7: {  	v54 =	vld.idx.msk [tilespmem:v16+s21+$0x820 ss:$0x1], $0xffff  }
0xd8: {  	v55 =	vld.idx.msk [tilespmem:v16+s21+$0x8820 ss:$0x1], $0xffff  }
0xd9: {  	v56 =	vld.idx.msk [tilespmem:v16+s21+$0x830 ss:$0x1], $0xffff  }
0xda: {  	v57 =	vld.idx.msk [tilespmem:v16+s21+$0x8830 ss:$0x1], $0xffff  }
0xdb: {  	v58 =	vld.idx.msk [tilespmem:v16+s21+$0x840 ss:$0x1], $0xffff;
	v18 =	vmul.f32 v19, v18;
	v19 =	vmul.f32 v53, v52  }
0xdc: {  	v59 =	vld.idx.msk [tilespmem:v16+s21+$0x8840 ss:$0x1], $0xffff  }
0xdd: {  	v60 =	vld.idx.msk [tilespmem:v16+s21+$0x850 ss:$0x1], $0xffff;
	v18 =	vadd.f32 v19, v18;
	v19 =	vmul.f32 v55, v54  }
0xde: {  	v61 =	vld.idx.msk [tilespmem:v16+s21+$0x8850 ss:$0x1], $0xffff  }
0xdf: {  	v62 =	vld.idx.msk [tilespmem:v16+s21+$0x860 ss:$0x1], $0xffff;
	v18 =	vadd.f32 v19, v18;
	v19 =	vmul.f32 v57, v56  }
0xe0: {  	v63 =	vld.idx.msk [tilespmem:v16+s21+$0x8860 ss:$0x1], $0xffff  }
0xe1: {  	v26 =	vld.idx.msk [tilespmem:v16+s21+$0x870 ss:$0x1], $0xffff;
	v18 =	vadd.f32 v19, v18;
	v19 =	vmul.f32 v59, v58  }
0xe2: {  	v27 =	vld.idx.msk [tilespmem:v16+s21+$0x8870 ss:$0x1], $0xffff  }
0xe3: {  	v18 =	vadd.f32 v19, v18;
	v19 =	vmul.f32 v61, v60;
	_ =	sdelay $0x1  }
0xe4: {  	v18 =	vadd.f32 v19, v18;
	v19 =	vmul.f32 v63, v62;
	_ =	sdelay $0x1  }
0xe5: {  	v18 =	vadd.f32 v19, v18;
	v19 =	vmul.f32 v27, v26;
	_ =	sdelay $0x1  }
0xe6: {  	v18 =	vadd.f32 v19, v18;
	_ =	sdelay $0x1  }
0xe7: {  	[tilespmem:$0x10688] =	vst v18  }
0xe8: {  	v18 =	vld.idx.msk [tilespmem:v16+s21+$0x880 ss:$0x1], $0xffff  }
0xe9: {  	v19 =	vld.idx.msk [tilespmem:v16+s21+$0x8880 ss:$0x1], $0xffff  }
0xea: {  	v28 =	vld.idx.msk [tilespmem:v16+s21+$0x890 ss:$0x1], $0xffff  }
0xeb: {  	v29 =	vld.idx.msk [tilespmem:v16+s21+$0x8890 ss:$0x1], $0xffff  }
0xec: {  	v30 =	vld.idx.msk [tilespmem:v16+s21+$0x8A0 ss:$0x1], $0xffff  }
0xed: {  	v31 =	vld.idx.msk [tilespmem:v16+s21+$0x88A0 ss:$0x1], $0xffff  }
0xee: {  	v32 =	vld.idx.msk [tilespmem:v16+s21+$0x8B0 ss:$0x1], $0xffff  }
0xef: {  	v33 =	vld.idx.msk [tilespmem:v16+s21+$0x88B0 ss:$0x1], $0xffff  }
0xf0: {  	v34 =	vld.idx.msk [tilespmem:v16+s21+$0x8C0 ss:$0x1], $0xffff;
	v18 =	vmul.f32 v19, v18;
	v19 =	vmul.f32 v29, v28  }
0xf1: {  	v35 =	vld.idx.msk [tilespmem:v16+s21+$0x88C0 ss:$0x1], $0xffff  }
0xf2: {  	v36 =	vld.idx.msk [tilespmem:v16+s21+$0x8D0 ss:$0x1], $0xffff;
	v18 =	vadd.f32 v19, v18;
	v19 =	vmul.f32 v31, v30  }
0xf3: {  	v37 =	vld.idx.msk [tilespmem:v16+s21+$0x88D0 ss:$0x1], $0xffff  }
0xf4: {  	v38 =	vld.idx.msk [tilespmem:v16+s21+$0x8E0 ss:$0x1], $0xffff;
	v18 =	vadd.f32 v19, v18;
	v19 =	vmul.f32 v33, v32  }
0xf5: {  	v39 =	vld.idx.msk [tilespmem:v16+s21+$0x88E0 ss:$0x1], $0xffff  }
0xf6: {  	v40 =	vld.idx.msk [tilespmem:v16+s21+$0x8F0 ss:$0x1], $0xffff;
	v18 =	vadd.f32 v19, v18;
	v19 =	vmul.f32 v35, v34  }
0xf7: {  	v41 =	vld.idx.msk [tilespmem:v16+s21+$0x88F0 ss:$0x1], $0xffff  }
0xf8: {  	v18 =	vadd.f32 v19, v18;
	v19 =	vmul.f32 v37, v36;
	_ =	sdelay $0x1  }
0xf9: {  	v18 =	vadd.f32 v19, v18;
	v19 =	vmul.f32 v39, v38;
	_ =	sdelay $0x1  }
0xfa: {  	v18 =	vadd.f32 v19, v18;
	v19 =	vmul.f32 v41, v40;
	_ =	sdelay $0x1  }
0xfb: {  	v18 =	vadd.f32 v19, v18;
	_ =	sdelay $0x1  }
0xfc: {  	[tilespmem:$0x10699] =	vst v18  }
0xfd: {  	v18 =	vld.idx.msk [tilespmem:v16+s21+$0x900 ss:$0x1], $0xffff  }
0xfe: {  	v19 =	vld.idx.msk [tilespmem:v16+s21+$0x8900 ss:$0x1], $0xffff  }
0xff: {  	v42 =	vld.idx.msk [tilespmem:v16+s21+$0x910 ss:$0x1], $0xffff  }
0x100: {  	v43 =	vld.idx.msk [tilespmem:v16+s21+$0x8910 ss:$0x1], $0xffff  }
0x101: {  	v44 =	vld.idx.msk [tilespmem:v16+s21+$0x920 ss:$0x1], $0xffff  }
0x102: {  	v45 =	vld.idx.msk [tilespmem:v16+s21+$0x8920 ss:$0x1], $0xffff  }
0x103: {  	v46 =	vld.idx.msk [tilespmem:v16+s21+$0x930 ss:$0x1], $0xffff  }
0x104: {  	v47 =	vld.idx.msk [tilespmem:v16+s21+$0x8930 ss:$0x1], $0xffff  }
0x105: {  	v48 =	vld.idx.msk [tilespmem:v16+s21+$0x940 ss:$0x1], $0xffff;
	v18 =	vmul.f32 v19, v18;
	v19 =	vmul.f32 v43, v42  }
0x106: {  	v49 =	vld.idx.msk [tilespmem:v16+s21+$0x8940 ss:$0x1], $0xffff  }
0x107: {  	v50 =	vld.idx.msk [tilespmem:v16+s21+$0x950 ss:$0x1], $0xffff;
	v18 =	vadd.f32 v19, v18;
	v19 =	vmul.f32 v45, v44  }
0x108: {  	v51 =	vld.idx.msk [tilespmem:v16+s21+$0x8950 ss:$0x1], $0xffff  }
0x109: {  	v52 =	vld.idx.msk [tilespmem:v16+s21+$0x960 ss:$0x1], $0xffff;
	v18 =	vadd.f32 v19, v18;
	v19 =	vmul.f32 v47, v46  }
0x10a: {  	v53 =	vld.idx.msk [tilespmem:v16+s21+$0x8960 ss:$0x1], $0xffff  }
0x10b: {  	v54 =	vld.idx.msk [tilespmem:v16+s21+$0x970 ss:$0x1], $0xffff;
	v18 =	vadd.f32 v19, v18;
	v19 =	vmul.f32 v49, v48  }
0x10c: {  	v55 =	vld.idx.msk [tilespmem:v16+s21+$0x8970 ss:$0x1], $0xffff  }
0x10d: {  	v18 =	vadd.f32 v19, v18;
	v19 =	vmul.f32 v51, v50;
	_ =	sdelay $0x1  }
0x10e: {  	v18 =	vadd.f32 v19, v18;
	v19 =	vmul.f32 v53, v52;
	_ =	sdelay $0x1  }
0x10f: {  	v18 =	vadd.f32 v19, v18;
	v19 =	vmul.f32 v55, v54;
	_ =	sdelay $0x1  }
0x110: {  	v18 =	vadd.f32 v19, v18;
	_ =	sdelay $0x1  }
0x111: {  	[tilespmem:$0x106AA] =	vst v18  }
0x112: {  	v18 =	vld.idx.msk [tilespmem:v16+s21+$0x980 ss:$0x1], $0xffff  }
0x113: {  	v19 =	vld.idx.msk [tilespmem:v16+s21+$0x8980 ss:$0x1], $0xffff  }
0x114: {  	v56 =	vld.idx.msk [tilespmem:v16+s21+$0x990 ss:$0x1], $0xffff  }
0x115: {  	v57 =	vld.idx.msk [tilespmem:v16+s21+$0x8990 ss:$0x1], $0xffff  }
0x116: {  	v58 =	vld.idx.msk [tilespmem:v16+s21+$0x9A0 ss:$0x1], $0xffff  }
0x117: {  	v59 =	vld.idx.msk [tilespmem:v16+s21+$0x89A0 ss:$0x1], $0xffff  }
0x118: {  	v60 =	vld.idx.msk [tilespmem:v16+s21+$0x9B0 ss:$0x1], $0xffff  }
0x119: {  	v61 =	vld.idx.msk [tilespmem:v16+s21+$0x89B0 ss:$0x1], $0xffff  }
0x11a: {  	v62 =	vld.idx.msk [tilespmem:v16+s21+$0x9C0 ss:$0x1], $0xffff;
	v18 =	vmul.f32 v19, v18;
	v19 =	vmul.f32 v57, v56  }
0x11b: {  	v63 =	vld.idx.msk [tilespmem:v16+s21+$0x89C0 ss:$0x1], $0xffff  }
0x11c: {  	v28 =	vld.idx.msk [tilespmem:v16+s21+$0x9D0 ss:$0x1], $0xffff;
	v18 =	vadd.f32 v19, v18;
	v19 =	vmul.f32 v59, v58  }
0x11d: {  	v29 =	vld.idx.msk [tilespmem:v16+s21+$0x89D0 ss:$0x1], $0xffff  }
0x11e: {  	v30 =	vld.idx.msk [tilespmem:v16+s21+$0x9E0 ss:$0x1], $0xffff;
	v18 =	vadd.f32 v19, v18;
	v19 =	vmul.f32 v61, v60  }
0x11f: {  	v31 =	vld.idx.msk [tilespmem:v16+s21+$0x89E0 ss:$0x1], $0xffff  }
0x120: {  	v32 =	vld.idx.msk [tilespmem:v16+s21+$0x9F0 ss:$0x1], $0xffff;
	v18 =	vadd.f32 v19, v18;
	v19 =	vmul.f32 v63, v62  }
0x121: {  	v33 =	vld.idx.msk [tilespmem:v16+s21+$0x89F0 ss:$0x1], $0xffff  }
0x122: {  	v18 =	vadd.f32 v19, v18;
	v19 =	vmul.f32 v29, v28;
	_ =	sdelay $0x1  }
0x123: {  	v18 =	vadd.f32 v19, v18;
	v19 =	vmul.f32 v31, v30;
	_ =	sdelay $0x1  }
0x124: {  	v18 =	vadd.f32 v19, v18;
	v19 =	vmul.f32 v33, v32;
	_ =	sdelay $0x1  }
0x125: {  	v18 =	vadd.f32 v19, v18;
	_ =	sdelay $0x1  }
0x126: {  	[tilespmem:$0x106BB] =	vst v18  }
0x127: {  	v18 =	vld.idx.msk [tilespmem:v16+s21+$0xA00 ss:$0x1], $0xffff  }
0x128: {  	v19 =	vld.idx.msk [tilespmem:v16+s21+$0x8A00 ss:$0x1], $0xffff  }
0x129: {  	v34 =	vld.idx.msk [tilespmem:v16+s21+$0xA10 ss:$0x1], $0xffff  }
0x12a: {  	v35 =	vld.idx.msk [tilespmem:v16+s21+$0x8A10 ss:$0x1], $0xffff  }
0x12b: {  	v36 =	vld.idx.msk [tilespmem:v16+s21+$0xA20 ss:$0x1], $0xffff  }
0x12c: {  	v37 =	vld.idx.msk [tilespmem:v16+s21+$0x8A20 ss:$0x1], $0xffff  }
0x12d: {  	v38 =	vld.idx.msk [tilespmem:v16+s21+$0xA30 ss:$0x1], $0xffff  }
0x12e: {  	v39 =	vld.idx.msk [tilespmem:v16+s21+$0x8A30 ss:$0x1], $0xffff  }
0x12f: {  	v40 =	vld.idx.msk [tilespmem:v16+s21+$0xA40 ss:$0x1], $0xffff;
	v18 =	vmul.f32 v19, v18;
	v19 =	vmul.f32 v35, v34  }
0x130: {  	v41 =	vld.idx.msk [tilespmem:v16+s21+$0x8A40 ss:$0x1], $0xffff  }
0x131: {  	v42 =	vld.idx.msk [tilespmem:v16+s21+$0xA50 ss:$0x1], $0xffff;
	v18 =	vadd.f32 v19, v18;
	v19 =	vmul.f32 v37, v36  }
0x132: {  	v43 =	vld.idx.msk [tilespmem:v16+s21+$0x8A50 ss:$0x1], $0xffff  }
0x133: {  	v44 =	vld.idx.msk [tilespmem:v16+s21+$0xA60 ss:$0x1], $0xffff;
	v18 =	vadd.f32 v19, v18;
	v19 =	vmul.f32 v39, v38  }
0x134: {  	v45 =	vld.idx.msk [tilespmem:v16+s21+$0x8A60 ss:$0x1], $0xffff  }
0x135: {  	v46 =	vld.idx.msk [tilespmem:v16+s21+$0xA70 ss:$0x1], $0xffff;
	v18 =	vadd.f32 v19, v18;
	v19 =	vmul.f32 v41, v40  }
0x136: {  	v47 =	vld.idx.msk [tilespmem:v16+s21+$0x8A70 ss:$0x1], $0xffff  }
0x137: {  	v18 =	vadd.f32 v19, v18;
	v19 =	vmul.f32 v43, v42;
	_ =	sdelay $0x1  }
0x138: {  	v18 =	vadd.f32 v19, v18;
	v19 =	vmul.f32 v45, v44;
	_ =	sdelay $0x1  }
0x139: {  	v18 =	vadd.f32 v19, v18;
	v19 =	vmul.f32 v47, v46;
	_ =	sdelay $0x1  }
0x13a: {  	v18 =	vadd.f32 v19, v18;
	_ =	sdelay $0x1  }
0x13b: {  	[tilespmem:$0x106CC] =	vst v18  }
0x13c: {  	v18 =	vld.idx.msk [tilespmem:v16+s21+$0xA80 ss:$0x1], $0xffff  }
0x13d: {  	v19 =	vld.idx.msk [tilespmem:v16+s21+$0x8A80 ss:$0x1], $0xffff  }
0x13e: {  	v48 =	vld.idx.msk [tilespmem:v16+s21+$0xA90 ss:$0x1], $0xffff  }
0x13f: {  	v49 =	vld.idx.msk [tilespmem:v16+s21+$0x8A90 ss:$0x1], $0xffff  }
0x140: {  	v50 =	vld.idx.msk [tilespmem:v16+s21+$0xAA0 ss:$0x1], $0xffff  }
0x141: {  	v51 =	vld.idx.msk [tilespmem:v16+s21+$0x8AA0 ss:$0x1], $0xffff  }
0x142: {  	v52 =	vld.idx.msk [tilespmem:v16+s21+$0xAB0 ss:$0x1], $0xffff  }
0x143: {  	v53 =	vld.idx.msk [tilespmem:v16+s21+$0x8AB0 ss:$0x1], $0xffff  }
0x144: {  	v54 =	vld.idx.msk [tilespmem:v16+s21+$0xAC0 ss:$0x1], $0xffff;
	v18 =	vmul.f32 v19, v18;
	v19 =	vmul.f32 v49, v48  }
0x145: {  	v55 =	vld.idx.msk [tilespmem:v16+s21+$0x8AC0 ss:$0x1], $0xffff  }
0x146: {  	v56 =	vld.idx.msk [tilespmem:v16+s21+$0xAD0 ss:$0x1], $0xffff;
	v18 =	vadd.f32 v19, v18;
	v19 =	vmul.f32 v51, v50  }
0x147: {  	v57 =	vld.idx.msk [tilespmem:v16+s21+$0x8AD0 ss:$0x1], $0xffff  }
0x148: {  	v58 =	vld.idx.msk [tilespmem:v16+s21+$0xAE0 ss:$0x1], $0xffff;
	v18 =	vadd.f32 v19, v18;
	v19 =	vmul.f32 v53, v52  }
0x149: {  	v59 =	vld.idx.msk [tilespmem:v16+s21+$0x8AE0 ss:$0x1], $0xffff  }
0x14a: {  	v60 =	vld.idx.msk [tilespmem:v16+s21+$0xAF0 ss:$0x1], $0xffff;
	v18 =	vadd.f32 v19, v18;
	v19 =	vmul.f32 v55, v54  }
0x14b: {  	v61 =	vld.idx.msk [tilespmem:v16+s21+$0x8AF0 ss:$0x1], $0xffff  }
0x14c: {  	v18 =	vadd.f32 v19, v18;
	v19 =	vmul.f32 v57, v56;
	_ =	sdelay $0x1  }
0x14d: {  	v18 =	vadd.f32 v19, v18;
	v19 =	vmul.f32 v59, v58;
	_ =	sdelay $0x1  }
0x14e: {  	v18 =	vadd.f32 v19, v18;
	v19 =	vmul.f32 v61, v60;
	_ =	sdelay $0x1  }
0x14f: {  	v18 =	vadd.f32 v19, v18;
	_ =	sdelay $0x1  }
0x150: {  	[tilespmem:$0x106DD] =	vst v18  }
0x151: {  	v18 =	vld.idx.msk [tilespmem:v16+s21+$0xB00 ss:$0x1], $0xffff  }
0x152: {  	v19 =	vld.idx.msk [tilespmem:v16+s21+$0x8B00 ss:$0x1], $0xffff  }
0x153: {  	v62 =	vld.idx.msk [tilespmem:v16+s21+$0xB10 ss:$0x1], $0xffff  }
0x154: {  	v63 =	vld.idx.msk [tilespmem:v16+s21+$0x8B10 ss:$0x1], $0xffff  }
0x155: {  	v28 =	vld.idx.msk [tilespmem:v16+s21+$0xB20 ss:$0x1], $0xffff  }
0x156: {  	v29 =	vld.idx.msk [tilespmem:v16+s21+$0x8B20 ss:$0x1], $0xffff  }
0x157: {  	v30 =	vld.idx.msk [tilespmem:v16+s21+$0xB30 ss:$0x1], $0xffff  }
0x158: {  	v31 =	vld.idx.msk [tilespmem:v16+s21+$0x8B30 ss:$0x1], $0xffff  }
0x159: {  	v32 =	vld.idx.msk [tilespmem:v16+s21+$0xB40 ss:$0x1], $0xffff;
	v18 =	vmul.f32 v19, v18;
	v19 =	vmul.f32 v63, v62  }
0x15a: {  	v33 =	vld.idx.msk [tilespmem:v16+s21+$0x8B40 ss:$0x1], $0xffff  }
0x15b: {  	v34 =	vld.idx.msk [tilespmem:v16+s21+$0xB50 ss:$0x1], $0xffff;
	v18 =	vadd.f32 v19, v18;
	v19 =	vmul.f32 v29, v28  }
0x15c: {  	v35 =	vld.idx.msk [tilespmem:v16+s21+$0x8B50 ss:$0x1], $0xffff  }
0x15d: {  	v36 =	vld.idx.msk [tilespmem:v16+s21+$0xB60 ss:$0x1], $0xffff;
	v18 =	vadd.f32 v19, v18;
	v19 =	vmul.f32 v31, v30  }
0x15e: {  	v37 =	vld.idx.msk [tilespmem:v16+s21+$0x8B60 ss:$0x1], $0xffff  }
0x15f: {  	v38 =	vld.idx.msk [tilespmem:v16+s21+$0xB70 ss:$0x1], $0xffff;
	v18 =	vadd.f32 v19, v18;
	v19 =	vmul.f32 v33, v32  }
0x160: {  	v39 =	vld.idx.msk [tilespmem:v16+s21+$0x8B70 ss:$0x1], $0xffff  }
0x161: {  	v18 =	vadd.f32 v19, v18;
	v19 =	vmul.f32 v35, v34;
	_ =	sdelay $0x1  }
0x162: {  	v18 =	vadd.f32 v19, v18;
	v19 =	vmul.f32 v37, v36;
	_ =	sdelay $0x1  }
0x163: {  	v18 =	vadd.f32 v19, v18;
	v19 =	vmul.f32 v39, v38;
	_ =	sdelay $0x1  }
0x164: {  	v18 =	vadd.f32 v19, v18;
	_ =	sdelay $0x1  }
0x165: {  	[tilespmem:$0x106EE] =	vst v18  }
0x166: {  	v18 =	vld.idx.msk [tilespmem:v16+s21+$0xB80 ss:$0x1], $0xffff  }
0x167: {  	v19 =	vld.idx.msk [tilespmem:v16+s21+$0x8B80 ss:$0x1], $0xffff  }
0x168: {  	v40 =	vld.idx.msk [tilespmem:v16+s21+$0xB90 ss:$0x1], $0xffff  }
0x169: {  	v41 =	vld.idx.msk [tilespmem:v16+s21+$0x8B90 ss:$0x1], $0xffff  }
0x16a: {  	v42 =	vld.idx.msk [tilespmem:v16+s21+$0xBA0 ss:$0x1], $0xffff  }
0x16b: {  	v43 =	vld.idx.msk [tilespmem:v16+s21+$0x8BA0 ss:$0x1], $0xffff  }
0x16c: {  	v44 =	vld.idx.msk [tilespmem:v16+s21+$0xBB0 ss:$0x1], $0xffff  }
0x16d: {  	v45 =	vld.idx.msk [tilespmem:v16+s21+$0x8BB0 ss:$0x1], $0xffff  }
0x16e: {  	v46 =	vld.idx.msk [tilespmem:v16+s21+$0xBC0 ss:$0x1], $0xffff;
	v18 =	vmul.f32 v19, v18;
	v19 =	vmul.f32 v41, v40  }
0x16f: {  	v47 =	vld.idx.msk [tilespmem:v16+s21+$0x8BC0 ss:$0x1], $0xffff  }
0x170: {  	v48 =	vld.idx.msk [tilespmem:v16+s21+$0xBD0 ss:$0x1], $0xffff;
	v18 =	vadd.f32 v19, v18;
	v19 =	vmul.f32 v43, v42  }
0x171: {  	v49 =	vld.idx.msk [tilespmem:v16+s21+$0x8BD0 ss:$0x1], $0xffff  }
0x172: {  	v50 =	vld.idx.msk [tilespmem:v16+s21+$0xBE0 ss:$0x1], $0xffff;
	v18 =	vadd.f32 v19, v18;
	v19 =	vmul.f32 v45, v44  }
0x173: {  	v51 =	vld.idx.msk [tilespmem:v16+s21+$0x8BE0 ss:$0x1], $0xffff  }
0x174: {  	v52 =	vld.idx.msk [tilespmem:v16+s21+$0xBF0 ss:$0x1], $0xffff;
	v18 =	vadd.f32 v19, v18;
	v19 =	vmul.f32 v47, v46  }
0x175: {  	v53 =	vld.idx.msk [tilespmem:v16+s21+$0x8BF0 ss:$0x1], $0xffff  }
0x176: {  	v18 =	vadd.f32 v19, v18;
	v19 =	vmul.f32 v49, v48;
	_ =	sdelay $0x1  }
0x177: {  	v18 =	vadd.f32 v19, v18;
	v19 =	vmul.f32 v51, v50;
	_ =	sdelay $0x1  }
0x178: {  	v18 =	vadd.f32 v19, v18;
	v19 =	vmul.f32 v53, v52;
	_ =	sdelay $0x1  }
0x179: {  	v18 =	vadd.f32 v19, v18;
	_ =	sdelay $0x1  }
0x17a: {  	[tilespmem:$0x106FF] =	vst v18  }
0x17b: {  	v18 =	vld.idx.msk [tilespmem:v0+s15+$0x0], $0xffff  }
0x17c: {  	v19 =	vld.idx.msk [tilespmem:v1+s15+$0x0], $0xffff;
	_ =	sdelay $0x1  }
0x17d: {  	v54 =	vld.idx.msk [tilespmem:v2+s15+$0x0], $0xffff;
	_ =	sdelay $0x1  }
0x17e: {  	v55 =	vld.idx.msk [tilespmem:v3+s15+$0x0], $0xffff  }
0x17f: {  	v18 =	vadd.f32 v19, v18  }
0x180: {  	v19 =	vld.idx.msk [tilespmem:v4+s15+$0x0], $0xffff  }
0x181: {  	v18 =	vadd.f32 v54, v18  }
0x182: {  	v56 =	vld.idx.msk [tilespmem:v5+s15+$0x0], $0xffff  }
0x183: {  	v18 =	vadd.f32 v55, v18  }
0x184: {  	v57 =	vld.idx.msk [tilespmem:v6+s15+$0x0], $0xffff  }
0x185: {  	v18 =	vadd.f32 v19, v18  }
0x186: {  	v19 =	vld.idx.msk [tilespmem:v7+s15+$0x0], $0xffff  }
0x187: {  	v18 =	vadd.f32 v56, v18  }
0x188: {  	v58 =	vld.idx.msk [tilespmem:v8+s15+$0x0], $0xffff  }
0x189: {  	v18 =	vadd.f32 v57, v18  }
0x18a: {  	v59 =	vld.idx.msk [tilespmem:v9+s15+$0x0], $0xffff  }
0x18b: {  	v18 =	vadd.f32 v19, v18  }
0x18c: {  	v19 =	vld.idx.msk [tilespmem:v10+s15+$0x0], $0xffff  }
0x18d: {  	v18 =	vadd.f32 v58, v18  }
0x18e: {  	v60 =	vld.idx.msk [tilespmem:v11+s15+$0x0], $0xffff  }
0x18f: {  	v18 =	vadd.f32 v59, v18  }
0x190: {  	v61 =	vld.idx.msk [tilespmem:v12+s15+$0x0], $0xffff  }
0x191: {  	v18 =	vadd.f32 v19, v18  }
0x192: {  	v19 =	vld.idx.msk [tilespmem:v13+s15+$0x0], $0xffff  }
0x193: {  	v18 =	vadd.f32 v60, v18  }
0x194: {  	v62 =	vld.idx.msk [tilespmem:v14+s15+$0x0], $0xffff  }
0x195: {  	v18 =	vadd.f32 v61, v18  }
0x196: {  	v63 =	vld.idx.msk [tilespmem:v15+s15+$0x0], $0xffff  }
0x197: {  	v18 =	vadd.f32 v19, v18  }
0x198: {  	p0 =	seq.s32 s20, $0x7  }
.Ltmp0:
0x199: {  	v18 =	vadd.f32 v62, v18;
	(pc) =	sbr.rel @!p0 .LBB2_4-.Ltmp0, $4  }
0x19a: {  	_ = 	snop  }
0x19b: {  	s31 =	sshll.u32 s20, $0x4;
	v18 =	vadd.f32 v63, v18  }
0x19c: {  	s21 =	sand.u32 $0x3FFFFFF0, s31  }
0x19d: {  	s20 =	sadd.s32 $0x1, s20;
	[tilespmem:v17+s21+$0x0 ss:$0x1] =	vst.idx.msk $0xffff, v18  }
0x19e: {  	p0 =	seq.s32 s19, $0x4  }
.Ltmp1:
0x19f: {  	_ = 	snop;
	(pc) =	sbr.rel @!p0 .LBB2_3-.Ltmp1, $1  }
0x1a0: {  	_ =	sdelay $0x3  }
0x1a1: {  	s18 =	sadd.s32 $0x1, s18  }
0x1a2: {  	p0 =	sne.s32 s18, s8  }
.Ltmp2:
0x1a3: {  	_ = 	snop;
	(pc) =	sbr.rel @p0 .LBB2_1-.Ltmp2, $4  }
0x1a4: {  	[hbm4b:s7+s4] =	stream.linear.scatter [tilespmem:s16], [sflag:$0x7], $0x200, $0x38;
	[tilespmem:$0x10780] =	vst v63  }
0x1a5: {  	_ =	swait.ge [sflag:s17], $0x200  }
0x1a6: {  	[sflag:s17] =	ssyncset.done $0x0  }
0x1a7: {  	[sflag:s17] =	ssyncadd.s32 $0xFFFFFE00  }
0x1a8: {  	_ =	sfence.sel $0x180000  }
0x1a9: {  	[bflag:$0x0] =	sbarrier.arrive $0xFFFF  }
0x1aa: {  	p0 =	sne.s32 s3, $0x0;
	_ =	strace $0x90000047  }
0x1ab: {  	s0 =	sadd.s32 @!p0 $0x100000, s0;
	[bflag:$0x2] =	sbarrier.arrive $0xFFFF  }
0x1ac: {  	[sflag:s0] =	ssyncadd.tile.s32 @!p0 $0x1;
	_ =	shalt  }
.Lfunc_end2:
_tile_overlayer_lowered:
.L_overlay_start_2:
0x1ad: {  	(tag) =	ssettag $0x2  }
0x1ae: {  	s0 =	rddreg [dreg:$0x0];
	s2 =	stileid.u32  }
0x1af: {  	s1 =	rddreg [dreg:$0x1];
	p0 =	sne.s32 s2, $0x0  }
0x1b0: {  	s3 =	rddreg [dreg:$0x2];
	[bflag:$0x3] =	sbarrier.arrive $0xFFFF;
	s2 =	simm.s32 @!p0 $0x1C07  }
0x1b1: {  	[timem:s3], [sflag:s2] =	dma.local @!p0 [hbm:s0], s1  }
0x1b2: {  	s0 =	simm.s32 @!p0 $0x7  }
0x1b3: {  	_ =	swait.ge @!p0 [sflag:s0], s1  }
0x1b4: {  	s1 =	ssub.s32 @!p0 $0x0, s1;
	[sflag:s0] =	ssyncset.done @!p0 $0x0  }
0x1b5: {  	[sflag:s0] =	ssyncadd.s32 @!p0 s1  }
0x1b6: {  	[bflag:$0x3] =	sbarrier.arrive $0xFFFF  }
0x1b7: {  	_ =	shalt  }

</sc_bundles>
